<compile_context>
chip_gen: v7x
topology: tpu7x:2x2x1
jax: 0.10.2.dev20260603
libtpu: 0.0.44.dev20260713+nightly
codegen_flags: <defaults>
</compile_context>

<pallas_src>
import functools

import jax
import jax.numpy as jnp
from jax import lax
from jax.experimental import pallas as pl
from jax.experimental.pallas import tpu as pltpu
from jax.experimental.pallas import tpu_sc as plsc

N_NODES_PAD = 10240
CHUNK = 128
N_CHUNKS = 2500
N_WORKERS = 32
FULL_ITERS = N_CHUNKS // N_WORKERS
TAIL = N_CHUNKS - FULL_ITERS * N_WORKERS

_MESH = plsc.VectorSubcoreMesh(core_axis_name="c", subcore_axis_name="s")
_SC_PARAMS = pltpu.CompilerParams(use_tc_tiling_on_sc=False)


def _sc_counts(tgt, z1, ones):

  @functools.partial(
      pl.kernel,
      mesh=_MESH,
      out_type=jax.ShapeDtypeStruct((2, N_NODES_PAD), jnp.float32),
      scratch_types=[
          pltpu.VMEM((1, CHUNK), jnp.int32),
          pltpu.VMEM((CHUNK,), jnp.float32),
          pltpu.VMEM_SHARED((N_NODES_PAD,), jnp.float32),
      ],
      compiler_params=_SC_PARAMS,
  )
  def k(tgt_hbm, z1_hbm, ones_hbm, cnts_hbm, idx_v, ones_v, cnt):
    cid = lax.axis_index("c")
    sid = lax.axis_index("s")
    wid = sid * 2 + cid
    seg = sid * (N_NODES_PAD // 16)

    pltpu.sync_copy(z1_hbm.at[pl.ds(seg, 640)], cnt.at[pl.ds(seg, 640)])
    pltpu.sync_copy(ones_hbm, ones_v)
    plsc.subcore_barrier()

    def do_chunk(c):
      pltpu.sync_copy(tgt_hbm.at[pl.ds(c, 1)], idx_v)
      pltpu.sync_copy(ones_v, cnt.at[idx_v.at[0]], add=True)

    def body(i, _):
      do_chunk(wid + i * N_WORKERS)
      return _

    lax.fori_loop(0, FULL_ITERS, body, None)

    @pl.when(wid < TAIL)
    def _():
      do_chunk(wid + FULL_ITERS * N_WORKERS)

    plsc.subcore_barrier()
    pltpu.sync_copy(cnt.at[pl.ds(seg, 640)], cnts_hbm.at[cid, pl.ds(seg, 640)])

  return k(tgt, z1, ones)


def _sc_sums(tgt, edge_attr, z2):

  @functools.partial(
      pl.kernel,
      mesh=_MESH,
      out_type=jax.ShapeDtypeStruct((2, N_NODES_PAD, 16), jnp.float32),
      scratch_types=[
          pltpu.VMEM((1, CHUNK), jnp.int32),
          pltpu.VMEM((CHUNK, 16), jnp.float32),
          pltpu.VMEM_SHARED((N_NODES_PAD, 16), jnp.float32),
      ],
      compiler_params=_SC_PARAMS,
  )
  def k(tgt_hbm, ea_hbm, z2_hbm, sums_hbm, idx_v, rows_v, acc):
    cid = lax.axis_index("c")
    sid = lax.axis_index("s")
    wid = sid * 2 + cid
    seg = sid * (N_NODES_PAD // 16)

    pltpu.sync_copy(z2_hbm.at[pl.ds(seg, 640)], acc.at[pl.ds(seg, 640)])
    plsc.subcore_barrier()

    def do_chunk(c):
      pltpu.sync_copy(tgt_hbm.at[pl.ds(c, 1)], idx_v)
      pltpu.sync_copy(ea_hbm.at[pl.ds(c * CHUNK, CHUNK)], rows_v)
      pltpu.sync_copy(rows_v, acc.at[idx_v.at[0]], add=True)

    def body(i, _):
      do_chunk(wid + i * N_WORKERS)
      return _

    lax.fori_loop(0, FULL_ITERS, body, None)

    @pl.when(wid < TAIL)
    def _():
      do_chunk(wid + FULL_ITERS * N_WORKERS)

    plsc.subcore_barrier()
    pltpu.sync_copy(acc.at[pl.ds(seg, 640)], sums_hbm.at[cid, pl.ds(seg, 640)])

  return k(tgt, edge_attr, z2)


def _tc_dense_body(node_ref, w1_ref, b_ref, out_ref):
  y = lax.dot_general(node_ref[...], w1_ref[...], (((1,), (1,)), ((), ())),
                      preferred_element_type=jnp.float32)
  out_ref[...] = y + b_ref[...]


def _tc_final_body(dense_ref, w2_ref, sum_ref, cnt_ref, out_ref):
  s = sum_ref[0] + sum_ref[1]
  c = cnt_ref[0] + cnt_ref[1]
  mean = s / jnp.maximum(c, 1.0)
  y = lax.dot_general(mean, w2_ref[...], (((1,), (1,)), ((), ())),
                      preferred_element_type=jnp.float32)
  out_ref[...] = jnp.maximum(dense_ref[...] + y, 0.0)


def kernel(edge_index, edge_attr, node_attr, W, b):
  n_nodes = node_attr.shape[0]
  tgt = edge_index[0].reshape(N_CHUNKS, CHUNK)
  z2 = jnp.zeros((N_NODES_PAD, 16), jnp.float32)
  z1 = jnp.zeros((N_NODES_PAD,), jnp.float32)
  ones = jnp.ones((CHUNK,), jnp.float32)
  W1 = W[:, :128]
  W2 = W[:, 128:]

  cnts = _sc_counts(tgt, z1, ones)
  sums = _sc_sums(tgt, edge_attr, z2)

  B = 2000
  grid = (n_nodes // B,)
  dense = pl.pallas_call(
      _tc_dense_body,
      grid=grid,
      in_specs=[
          pl.BlockSpec((B, 128), lambda i: (i, 0)),
          pl.BlockSpec((128, 128), lambda i: (0, 0)),
          pl.BlockSpec((1, 128), lambda i: (0, 0)),
      ],
      out_specs=pl.BlockSpec((B, 128), lambda i: (i, 0)),
      out_shape=jax.ShapeDtypeStruct((n_nodes, 128), jnp.float32),
  )(node_attr, W1, b.reshape(1, 128))

  out = pl.pallas_call(
      _tc_final_body,
      grid=grid,
      in_specs=[
          pl.BlockSpec((B, 128), lambda i: (i, 0)),
          pl.BlockSpec((128, 16), lambda i: (0, 0)),
          pl.BlockSpec((2, B, 16), lambda i: (0, i, 0)),
          pl.BlockSpec((2, B, 1), lambda i: (0, i, 0)),
      ],
      out_specs=pl.BlockSpec((B, 128), lambda i: (i, 0)),
      out_shape=jax.ShapeDtypeStruct((n_nodes, 128), jnp.float32),
  )(dense, W2, sums, cnts.reshape(2, N_NODES_PAD, 1))
  return out

# --- scband reference (transcript-rebuilt; emitter-appended) ---
"""Pipeline reference for scband-edge-sagelayer-47880295416397 (READ-ONLY COPY).

The authoritative reference and input builder live on the scoring server;
editing this copy changes nothing except your own understanding.
"""

import jax, jax.numpy as jnp
import numpy as np

N_NODES = 10000
N_EDGES = 320000
D_EDGE = 16
D_IN = 128
D_OUT = 128


def setup_inputs(seed: int = 0) -> dict:
    key = jax.random.key(seed)
    k1, k2, k3, k4, k5 = jax.random.split(key, 5)
    edge_index = jax.random.randint(k1, (2, N_EDGES), 0, N_NODES, dtype=jnp.int32)
    # ensure max index == N_NODES - 1 so num_nodes inferred from edge_index matches node_attr
    edge_index = edge_index.at[0, 0].set(N_NODES - 1)
    edge_attr = jax.random.normal(k2, (N_EDGES, D_EDGE), dtype=jnp.float32)
    node_attr = jax.random.normal(k3, (N_NODES, D_IN), dtype=jnp.float32)
    fan_in = D_IN + D_EDGE
    bound = 1.0 / np.sqrt(fan_in)
    W = jax.random.uniform(k4, (D_OUT, fan_in), dtype=jnp.float32, minval=-bound, maxval=bound)
    b = jax.random.uniform(k5, (D_OUT,), dtype=jnp.float32, minval=-bound, maxval=bound)
    return {"edge_index": edge_index, "edge_attr": edge_attr, "node_attr": node_attr, "W": W, "b": b}


def reference(edge_index, edge_attr, node_attr, W, b):
    # num_nodes = edge_index.max()+1 in the torch module; the trailing assert forces
    # it to equal node_attr.shape[0], so we use the static shape (jit-friendly).
    num_nodes = node_attr.shape[0]
    target = edge_index[0, :].reshape(-1)
    sums = jax.ops.segment_sum(edge_attr, target, num_segments=num_nodes)
    counts = jax.ops.segment_sum(jnp.ones((edge_attr.shape[0],), dtype=edge_attr.dtype), target, num_segments=num_nodes)
    edge_aggregated_mean = sums / jnp.maximum(counts, 1.0)[:, None]  # scatter_mean semantics (clamp count >= 1)
    node_edge_concat = jnp.concatenate([node_attr, edge_aggregated_mean], axis=1)
    new_node_embeddings = jax.nn.relu(node_edge_concat @ W.T + b)
    return new_node_embeddings

if __name__ == "__main__":
    import jax
    _d = setup_inputs()
    print(jax.jit(kernel)(*tuple(_d.values())))

</pallas_src>

<mosaic_0001>
#map = affine_map<(d0, d1) -> (0, 0)>
#map1 = affine_map<(d0, d1) -> (0, 0, 0)>
module attributes {stable_mosaic.version = 14 : i64} {
  func.func @k(%arg0: i32, %arg1: i32, %arg2: memref<2500x128xi32, #tpu.memory_space<hbm>>, %arg3: memref<320000x16xf32, #tpu.memory_space<hbm>>, %arg4: memref<10240x16xf32, #tpu.memory_space<hbm>>, %arg5: memref<2x10240x16xf32, #tpu.memory_space<hbm>>, %arg6: memref<1x128xi32, #tpu.memory_space<vmem>>, %arg7: memref<128x16xf32, #tpu.memory_space<vmem>>, %arg8: memref<10240x16xf32, #tpu.memory_space<vmem_shared>>) attributes {dimension_semantics = [#tpu.dimension_semantics<core_parallel>, #tpu.dimension_semantics<subcore_parallel>], iteration_bounds = array<i64: 2, 16>, scalar_prefetch = 0 : i64, scratch_operands = 3 : i64, tpu.core_type = #tpu.core_type<sc_vector_subcore>, window_params = [{transform_indices = #map}, {transform_indices = #map}, {transform_indices = #map}, {transform_indices = #map1}]} {
    %mul3A = arith.constant 2 : i32
    %mul3A_0 = arith.muli %arg1, %mul3A : i32
    %add3A = arith.addi %mul3A_0, %arg0 : i32
    %mul3A_1 = arith.constant 640 : i32
    %mul3A_2 = arith.muli %arg1, %mul3A_1 : i32
    "tpu.region"() ({
      %run_scoped3A = tpu.sem_alloc : memref<!tpu.dma_semaphore, #tpu.memory_space<semaphore_mem>>
      %dma_start3A = arith.constant 0 : i32
      %dma_start3A_10 = tpu.memref_slice %arg8[%mul3A_2, %dma_start3A] : memref<10240x16xf32, #tpu.memory_space<vmem_shared>> -> memref<640x16xf32, #tpu.memory_space<vmem_shared>>
      %dma_start3A_11 = arith.constant 0 : i32
      %dma_start3A_12 = tpu.memref_slice %arg4[%mul3A_2, %dma_start3A_11] : memref<10240x16xf32, #tpu.memory_space<hbm>> -> memref<640x16xf32, #tpu.memory_space<hbm>>
      tpu.enqueue_dma source(%dma_start3A_12 : memref<640x16xf32, #tpu.memory_space<hbm>>) target(%dma_start3A_10 : memref<640x16xf32, #tpu.memory_space<vmem_shared>>) target_semaphore(%run_scoped3A : memref<!tpu.dma_semaphore, #tpu.memory_space<semaphore_mem>>)
      %dma_wait3A = arith.constant 0 : i32
      %dma_wait3A_13 = tpu.memref_slice %arg8[%mul3A_2, %dma_wait3A] : memref<10240x16xf32, #tpu.memory_space<vmem_shared>> -> memref<640x16xf32, #tpu.memory_space<vmem_shared>>
      %dma_wait3A_14 = arith.constant 0 : i32
      %dma_wait3A_15 = tpu.memref_slice %arg4[%mul3A_2, %dma_wait3A_14] : memref<10240x16xf32, #tpu.memory_space<hbm>> -> memref<640x16xf32, #tpu.memory_space<hbm>>
      tpu.wait_dma2 semaphore(%run_scoped3A : memref<!tpu.dma_semaphore, #tpu.memory_space<semaphore_mem>>) src(%dma_wait3A_15 : memref<640x16xf32, #tpu.memory_space<hbm>>) dst(%dma_wait3A_13 : memref<640x16xf32, #tpu.memory_space<vmem_shared>>)
      tpu.yield
    }) : () -> ()
    %barrier3A = arith.constant 0 : index
    tpu.barrier barrier_id(%barrier3A)
    %scan3A = arith.constant 0 : i32
    %scan3A_3 = arith.constant 78 : i32
    %scan3A_4 = arith.addi %scan3A, %scan3A_3 : i32
    %scan3A_5 = arith.constant 1 : i32
    scf.for %scan3A_10 = %scan3A to %scan3A_4 step %scan3A_5  : i32 {
      %mul3A_11 = arith.constant 32 : i32
      %mul3A_12 = arith.muli %scan3A_10, %mul3A_11 : i32
      %add3A_13 = arith.addi %add3A, %mul3A_12 : i32
      "tpu.region"() ({
        %run_scoped3A_16 = tpu.sem_alloc : memref<!tpu.dma_semaphore, #tpu.memory_space<semaphore_mem>>
        %dma_start3A = arith.constant 0 : i32
        %dma_start3A_17 = tpu.memref_slice %arg2[%add3A_13, %dma_start3A] : memref<2500x128xi32, #tpu.memory_space<hbm>> -> memref<1x128xi32, #tpu.memory_space<hbm>>
        %dma_start3A_18 = arith.constant 0 : i32
        %dma_start3A_19 = tpu.memref_slice %arg2[%add3A_13, %dma_start3A_18] : memref<2500x128xi32, #tpu.memory_space<hbm>> -> memref<1x128xi32, #tpu.memory_space<hbm>>
        tpu.enqueue_dma source(%dma_start3A_19 : memref<1x128xi32, #tpu.memory_space<hbm>>) target(%arg6 : memref<1x128xi32, #tpu.memory_space<vmem>>) target_semaphore(%run_scoped3A_16 : memref<!tpu.dma_semaphore, #tpu.memory_space<semaphore_mem>>)
        %dma_wait3A = arith.constant 0 : i32
        %dma_wait3A_20 = tpu.memref_slice %arg2[%add3A_13, %dma_wait3A] : memref<2500x128xi32, #tpu.memory_space<hbm>> -> memref<1x128xi32, #tpu.memory_space<hbm>>
        %dma_wait3A_21 = arith.constant 0 : i32
        %dma_wait3A_22 = tpu.memref_slice %arg2[%add3A_13, %dma_wait3A_21] : memref<2500x128xi32, #tpu.memory_space<hbm>> -> memref<1x128xi32, #tpu.memory_space<hbm>>
        tpu.wait_dma2 semaphore(%run_scoped3A_16 : memref<!tpu.dma_semaphore, #tpu.memory_space<semaphore_mem>>) src(%dma_wait3A_22 : memref<1x128xi32, #tpu.memory_space<hbm>>) dst(%arg6 : memref<1x128xi32, #tpu.memory_space<vmem>>)
        tpu.yield
      }) : () -> ()
      %mul3A_14 = arith.constant 128 : i32
      %mul3A_15 = arith.muli %add3A_13, %mul3A_14 : i32
      "tpu.region"() ({
        %run_scoped3A_16 = tpu.sem_alloc : memref<!tpu.dma_semaphore, #tpu.memory_space<semaphore_mem>>
        %dma_start3A = arith.constant 0 : i32
        %dma_start3A_17 = tpu.memref_slice %arg3[%mul3A_15, %dma_start3A] : memref<320000x16xf32, #tpu.memory_space<hbm>> -> memref<128x16xf32, #tpu.memory_space<hbm>>
        %dma_start3A_18 = arith.constant 0 : i32
        %dma_start3A_19 = tpu.memref_slice %arg3[%mul3A_15, %dma_start3A_18] : memref<320000x16xf32, #tpu.memory_space<hbm>> -> memref<128x16xf32, #tpu.memory_space<hbm>>
        tpu.enqueue_dma source(%dma_start3A_19 : memref<128x16xf32, #tpu.memory_space<hbm>>) target(%arg7 : memref<128x16xf32, #tpu.memory_space<vmem>>) target_semaphore(%run_scoped3A_16 : memref<!tpu.dma_semaphore, #tpu.memory_space<semaphore_mem>>)
        %dma_wait3A = arith.constant 0 : i32
        %dma_wait3A_20 = tpu.memref_slice %arg3[%mul3A_15, %dma_wait3A] : memref<320000x16xf32, #tpu.memory_space<hbm>> -> memref<128x16xf32, #tpu.memory_space<hbm>>
        %dma_wait3A_21 = arith.constant 0 : i32
        %dma_wait3A_22 = tpu.memref_slice %arg3[%mul3A_15, %dma_wait3A_21] : memref<320000x16xf32, #tpu.memory_space<hbm>> -> memref<128x16xf32, #tpu.memory_space<hbm>>
        tpu.wait_dma2 semaphore(%run_scoped3A_16 : memref<!tpu.dma_semaphore, #tpu.memory_space<semaphore_mem>>) src(%dma_wait3A_22 : memref<128x16xf32, #tpu.memory_space<hbm>>) dst(%arg7 : memref<128x16xf32, #tpu.memory_space<vmem>>)
        tpu.yield
      }) : () -> ()
      %run_scoped3A = arith.constant 0 : i32
      "tpu.region"() ({
        %run_scoped3A_16 = tpu.sem_alloc : memref<!tpu.dma_semaphore, #tpu.memory_space<semaphore_mem>>
        %dma_start3A = arith.constant 0 : i32
        %dma_start3A_17 = tpu.memref_slice %arg6[%run_scoped3A, %dma_start3A] : memref<1x128xi32, #tpu.memory_space<vmem>> -> memref<1x128xi32, #tpu.memory_space<vmem>>
        %dma_start3A_18 = tpu.memref_squeeze %dma_start3A_17 : memref<1x128xi32, #tpu.memory_space<vmem>> -> memref<128xi32, #tpu.memory_space<vmem>>
        %dma_start3A_19 = arith.constant 0 : i32
        %dma_start3A_20 = arith.constant 0 : i32
        %dma_start3A_21 = tpu.memref_slice %arg8[%dma_start3A_19, %dma_start3A_20] : memref<10240x16xf32, #tpu.memory_space<vmem_shared>> -> memref<10240x16xf32, #tpu.memory_space<vmem_shared>>
        tpu.enqueue_indirect_dma source(%arg7 : memref<128x16xf32, #tpu.memory_space<vmem>>) target(%dma_start3A_21 : memref<10240x16xf32, #tpu.memory_space<vmem_shared>>) offsets(%dma_start3A_18 : memref<128xi32, #tpu.memory_space<vmem>>) semaphore(%run_scoped3A_16 : memref<!tpu.dma_semaphore, #tpu.memory_space<semaphore_mem>>) {add = true}
        %dma_wait3A = arith.constant 0 : i32
        %dma_wait3A_22 = tpu.memref_slice %arg6[%run_scoped3A, %dma_wait3A] : memref<1x128xi32, #tpu.memory_space<vmem>> -> memref<1x128xi32, #tpu.memory_space<vmem>>
        %dma_wait3A_23 = tpu.memref_squeeze %dma_wait3A_22 : memref<1x128xi32, #tpu.memory_space<vmem>> -> memref<128xi32, #tpu.memory_space<vmem>>
        %dma_wait3A_24 = arith.constant 0 : i32
        %dma_wait3A_25 = arith.constant 0 : i32
        %dma_wait3A_26 = tpu.memref_slice %arg8[%dma_wait3A_24, %dma_wait3A_25] : memref<10240x16xf32, #tpu.memory_space<vmem_shared>> -> memref<10240x16xf32, #tpu.memory_space<vmem_shared>>
        tpu.wait_indirect_dma semaphore(%run_scoped3A_16 : memref<!tpu.dma_semaphore, #tpu.memory_space<semaphore_mem>>) src(%arg7 : memref<128x16xf32, #tpu.memory_space<vmem>>) dst(%dma_wait3A_26 : memref<10240x16xf32, #tpu.memory_space<vmem_shared>>)
        tpu.yield
      }) : () -> ()
    }
    %scan3A_6 = arith.constant 78 : i32
    %lt3A = arith.constant 4 : i32
    %lt3A_7 = arith.cmpi slt, %add3A, %lt3A : i32
    %convert_element_type3A = arith.extui %lt3A_7 : i1 to i32
    %cond3A = arith.constant 0 : i32
    %cond3A_8 = arith.cmpi ne, %convert_element_type3A, %cond3A : i32
    scf.if %cond3A_8 {
      %add3A_10 = arith.constant 2496 : i32
      %add3A_11 = arith.addi %add3A, %add3A_10 : i32
      "tpu.region"() ({
        %run_scoped3A_14 = tpu.sem_alloc : memref<!tpu.dma_semaphore, #tpu.memory_space<semaphore_mem>>
        %dma_start3A = arith.constant 0 : i32
        %dma_start3A_15 = tpu.memref_slice %arg2[%add3A_11, %dma_start3A] : memref<2500x128xi32, #tpu.memory_space<hbm>> -> memref<1x128xi32, #tpu.memory_space<hbm>>
        %dma_start3A_16 = arith.constant 0 : i32
        %dma_start3A_17 = tpu.memref_slice %arg2[%add3A_11, %dma_start3A_16] : memref<2500x128xi32, #tpu.memory_space<hbm>> -> memref<1x128xi32, #tpu.memory_space<hbm>>
        tpu.enqueue_dma source(%dma_start3A_17 : memref<1x128xi32, #tpu.memory_space<hbm>>) target(%arg6 : memref<1x128xi32, #tpu.memory_space<vmem>>) target_semaphore(%run_scoped3A_14 : memref<!tpu.dma_semaphore, #tpu.memory_space<semaphore_mem>>)
        %dma_wait3A = arith.constant 0 : i32
        %dma_wait3A_18 = tpu.memref_slice %arg2[%add3A_11, %dma_wait3A] : memref<2500x128xi32, #tpu.memory_space<hbm>> -> memref<1x128xi32, #tpu.memory_space<hbm>>
        %dma_wait3A_19 = arith.constant 0 : i32
        %dma_wait3A_20 = tpu.memref_slice %arg2[%add3A_11, %dma_wait3A_19] : memref<2500x128xi32, #tpu.memory_space<hbm>> -> memref<1x128xi32, #tpu.memory_space<hbm>>
        tpu.wait_dma2 semaphore(%run_scoped3A_14 : memref<!tpu.dma_semaphore, #tpu.memory_space<semaphore_mem>>) src(%dma_wait3A_20 : memref<1x128xi32, #tpu.memory_space<hbm>>) dst(%arg6 : memref<1x128xi32, #tpu.memory_space<vmem>>)
        tpu.yield
      }) : () -> ()
      %mul3A_12 = arith.constant 128 : i32
      %mul3A_13 = arith.muli %add3A_11, %mul3A_12 : i32
      "tpu.region"() ({
        %run_scoped3A_14 = tpu.sem_alloc : memref<!tpu.dma_semaphore, #tpu.memory_space<semaphore_mem>>
        %dma_start3A = arith.constant 0 : i32
        %dma_start3A_15 = tpu.memref_slice %arg3[%mul3A_13, %dma_start3A] : memref<320000x16xf32, #tpu.memory_space<hbm>> -> memref<128x16xf32, #tpu.memory_space<hbm>>
        %dma_start3A_16 = arith.constant 0 : i32
        %dma_start3A_17 = tpu.memref_slice %arg3[%mul3A_13, %dma_start3A_16] : memref<320000x16xf32, #tpu.memory_space<hbm>> -> memref<128x16xf32, #tpu.memory_space<hbm>>
        tpu.enqueue_dma source(%dma_start3A_17 : memref<128x16xf32, #tpu.memory_space<hbm>>) target(%arg7 : memref<128x16xf32, #tpu.memory_space<vmem>>) target_semaphore(%run_scoped3A_14 : memref<!tpu.dma_semaphore, #tpu.memory_space<semaphore_mem>>)
        %dma_wait3A = arith.constant 0 : i32
        %dma_wait3A_18 = tpu.memref_slice %arg3[%mul3A_13, %dma_wait3A] : memref<320000x16xf32, #tpu.memory_space<hbm>> -> memref<128x16xf32, #tpu.memory_space<hbm>>
        %dma_wait3A_19 = arith.constant 0 : i32
        %dma_wait3A_20 = tpu.memref_slice %arg3[%mul3A_13, %dma_wait3A_19] : memref<320000x16xf32, #tpu.memory_space<hbm>> -> memref<128x16xf32, #tpu.memory_space<hbm>>
        tpu.wait_dma2 semaphore(%run_scoped3A_14 : memref<!tpu.dma_semaphore, #tpu.memory_space<semaphore_mem>>) src(%dma_wait3A_20 : memref<128x16xf32, #tpu.memory_space<hbm>>) dst(%arg7 : memref<128x16xf32, #tpu.memory_space<vmem>>)
        tpu.yield
      }) : () -> ()
      %run_scoped3A = arith.constant 0 : i32
      "tpu.region"() ({
        %run_scoped3A_14 = tpu.sem_alloc : memref<!tpu.dma_semaphore, #tpu.memory_space<semaphore_mem>>
        %dma_start3A = arith.constant 0 : i32
        %dma_start3A_15 = tpu.memref_slice %arg6[%run_scoped3A, %dma_start3A] : memref<1x128xi32, #tpu.memory_space<vmem>> -> memref<1x128xi32, #tpu.memory_space<vmem>>
        %dma_start3A_16 = tpu.memref_squeeze %dma_start3A_15 : memref<1x128xi32, #tpu.memory_space<vmem>> -> memref<128xi32, #tpu.memory_space<vmem>>
        %dma_start3A_17 = arith.constant 0 : i32
        %dma_start3A_18 = arith.constant 0 : i32
        %dma_start3A_19 = tpu.memref_slice %arg8[%dma_start3A_17, %dma_start3A_18] : memref<10240x16xf32, #tpu.memory_space<vmem_shared>> -> memref<10240x16xf32, #tpu.memory_space<vmem_shared>>
        tpu.enqueue_indirect_dma source(%arg7 : memref<128x16xf32, #tpu.memory_space<vmem>>) target(%dma_start3A_19 : memref<10240x16xf32, #tpu.memory_space<vmem_shared>>) offsets(%dma_start3A_16 : memref<128xi32, #tpu.memory_space<vmem>>) semaphore(%run_scoped3A_14 : memref<!tpu.dma_semaphore, #tpu.memory_space<semaphore_mem>>) {add = true}
        %dma_wait3A = arith.constant 0 : i32
        %dma_wait3A_20 = tpu.memref_slice %arg6[%run_scoped3A, %dma_wait3A] : memref<1x128xi32, #tpu.memory_space<vmem>> -> memref<1x128xi32, #tpu.memory_space<vmem>>
        %dma_wait3A_21 = tpu.memref_squeeze %dma_wait3A_20 : memref<1x128xi32, #tpu.memory_space<vmem>> -> memref<128xi32, #tpu.memory_space<vmem>>
        %dma_wait3A_22 = arith.constant 0 : i32
        %dma_wait3A_23 = arith.constant 0 : i32
        %dma_wait3A_24 = tpu.memref_slice %arg8[%dma_wait3A_22, %dma_wait3A_23] : memref<10240x16xf32, #tpu.memory_space<vmem_shared>> -> memref<10240x16xf32, #tpu.memory_space<vmem_shared>>
        tpu.wait_indirect_dma semaphore(%run_scoped3A_14 : memref<!tpu.dma_semaphore, #tpu.memory_space<semaphore_mem>>) src(%arg7 : memref<128x16xf32, #tpu.memory_space<vmem>>) dst(%dma_wait3A_24 : memref<10240x16xf32, #tpu.memory_space<vmem_shared>>)
        tpu.yield
      }) : () -> ()
    } else {
    }
    %barrier3A_9 = arith.constant 0 : index
    tpu.barrier barrier_id(%barrier3A_9)
    "tpu.region"() ({
      %run_scoped3A = tpu.sem_alloc : memref<!tpu.dma_semaphore, #tpu.memory_space<semaphore_mem>>
      %dma_start3A = arith.constant 0 : i32
      %dma_start3A_10 = tpu.memref_slice %arg5[%arg0, %mul3A_2, %dma_start3A] : memref<2x10240x16xf32, #tpu.memory_space<hbm>> -> memref<1x640x16xf32, #tpu.memory_space<hbm>>
      %dma_start3A_11 = tpu.memref_squeeze %dma_start3A_10 : memref<1x640x16xf32, #tpu.memory_space<hbm>> -> memref<640x16xf32, #tpu.memory_space<hbm>>
      %dma_start3A_12 = arith.constant 0 : i32
      %dma_start3A_13 = tpu.memref_slice %arg8[%mul3A_2, %dma_start3A_12] : memref<10240x16xf32, #tpu.memory_space<vmem_shared>> -> memref<640x16xf32, #tpu.memory_space<vmem_shared>>
      tpu.enqueue_dma source(%dma_start3A_13 : memref<640x16xf32, #tpu.memory_space<vmem_shared>>) target(%dma_start3A_11 : memref<640x16xf32, #tpu.memory_space<hbm>>) target_semaphore(%run_scoped3A : memref<!tpu.dma_semaphore, #tpu.memory_space<semaphore_mem>>)
      %dma_wait3A = arith.constant 0 : i32
      %dma_wait3A_14 = tpu.memref_slice %arg5[%arg0, %mul3A_2, %dma_wait3A] : memref<2x10240x16xf32, #tpu.memory_space<hbm>> -> memref<1x640x16xf32, #tpu.memory_space<hbm>>
      %dma_wait3A_15 = tpu.memref_squeeze %dma_wait3A_14 : memref<1x640x16xf32, #tpu.memory_space<hbm>> -> memref<640x16xf32, #tpu.memory_space<hbm>>
      %dma_wait3A_16 = arith.constant 0 : i32
      %dma_wait3A_17 = tpu.memref_slice %arg8[%mul3A_2, %dma_wait3A_16] : memref<10240x16xf32, #tpu.memory_space<vmem_shared>> -> memref<640x16xf32, #tpu.memory_space<vmem_shared>>
      tpu.wait_dma2 semaphore(%run_scoped3A : memref<!tpu.dma_semaphore, #tpu.memory_space<semaphore_mem>>) src(%dma_wait3A_17 : memref<640x16xf32, #tpu.memory_space<vmem_shared>>) dst(%dma_wait3A_15 : memref<640x16xf32, #tpu.memory_space<hbm>>)
      tpu.yield
    }) : () -> ()
    return
  }
}

#map = affine_map<(d0, d1) -> (0, 0)>
#map1 = affine_map<(d0, d1) -> (0)>
module attributes {stable_mosaic.version = 14 : i64} {
  func.func @k(%arg0: i32, %arg1: i32, %arg2: memref<2500x128xi32, #tpu.memory_space<hbm>>, %arg3: memref<10240xf32, #tpu.memory_space<hbm>>, %arg4: memref<128xf32, #tpu.memory_space<hbm>>, %arg5: memref<2x10240xf32, #tpu.memory_space<hbm>>, %arg6: memref<1x128xi32, #tpu.memory_space<vmem>>, %arg7: memref<128xf32, #tpu.memory_space<vmem>>, %arg8: memref<10240xf32, #tpu.memory_space<vmem_shared>>) attributes {dimension_semantics = [#tpu.dimension_semantics<core_parallel>, #tpu.dimension_semantics<subcore_parallel>], iteration_bounds = array<i64: 2, 16>, scalar_prefetch = 0 : i64, scratch_operands = 3 : i64, tpu.core_type = #tpu.core_type<sc_vector_subcore>, window_params = [{transform_indices = #map}, {transform_indices = #map1}, {transform_indices = #map1}, {transform_indices = #map}]} {
    %mul3A = arith.constant 2 : i32
    %mul3A_0 = arith.muli %arg1, %mul3A : i32
    %add3A = arith.addi %mul3A_0, %arg0 : i32
    %mul3A_1 = arith.constant 640 : i32
    %mul3A_2 = arith.muli %arg1, %mul3A_1 : i32
    "tpu.region"() ({
      %run_scoped3A = tpu.sem_alloc : memref<!tpu.dma_semaphore, #tpu.memory_space<semaphore_mem>>
      %dma_start3A = tpu.memref_slice %arg8[%mul3A_2] : memref<10240xf32, #tpu.memory_space<vmem_shared>> -> memref<640xf32, #tpu.memory_space<vmem_shared>>
      %dma_start3A_10 = tpu.memref_slice %arg3[%mul3A_2] : memref<10240xf32, #tpu.memory_space<hbm>> -> memref<640xf32, #tpu.memory_space<hbm>>
      tpu.enqueue_dma source(%dma_start3A_10 : memref<640xf32, #tpu.memory_space<hbm>>) target(%dma_start3A : memref<640xf32, #tpu.memory_space<vmem_shared>>) target_semaphore(%run_scoped3A : memref<!tpu.dma_semaphore, #tpu.memory_space<semaphore_mem>>)
      %dma_wait3A = tpu.memref_slice %arg8[%mul3A_2] : memref<10240xf32, #tpu.memory_space<vmem_shared>> -> memref<640xf32, #tpu.memory_space<vmem_shared>>
      %dma_wait3A_11 = tpu.memref_slice %arg3[%mul3A_2] : memref<10240xf32, #tpu.memory_space<hbm>> -> memref<640xf32, #tpu.memory_space<hbm>>
      tpu.wait_dma2 semaphore(%run_scoped3A : memref<!tpu.dma_semaphore, #tpu.memory_space<semaphore_mem>>) src(%dma_wait3A_11 : memref<640xf32, #tpu.memory_space<hbm>>) dst(%dma_wait3A : memref<640xf32, #tpu.memory_space<vmem_shared>>)
      tpu.yield
    }) : () -> ()
    "tpu.region"() ({
      %run_scoped3A = tpu.sem_alloc : memref<!tpu.dma_semaphore, #tpu.memory_space<semaphore_mem>>
      tpu.enqueue_dma source(%arg4 : memref<128xf32, #tpu.memory_space<hbm>>) target(%arg7 : memref<128xf32, #tpu.memory_space<vmem>>) target_semaphore(%run_scoped3A : memref<!tpu.dma_semaphore, #tpu.memory_space<semaphore_mem>>)
      tpu.wait_dma2 semaphore(%run_scoped3A : memref<!tpu.dma_semaphore, #tpu.memory_space<semaphore_mem>>) src(%arg4 : memref<128xf32, #tpu.memory_space<hbm>>) dst(%arg7 : memref<128xf32, #tpu.memory_space<vmem>>)
      tpu.yield
    }) : () -> ()
    %barrier3A = arith.constant 0 : index
    tpu.barrier barrier_id(%barrier3A)
    %scan3A = arith.constant 0 : i32
    %scan3A_3 = arith.constant 78 : i32
    %scan3A_4 = arith.addi %scan3A, %scan3A_3 : i32
    %scan3A_5 = arith.constant 1 : i32
    scf.for %scan3A_10 = %scan3A to %scan3A_4 step %scan3A_5  : i32 {
      %mul3A_11 = arith.constant 32 : i32
      %mul3A_12 = arith.muli %scan3A_10, %mul3A_11 : i32
      %add3A_13 = arith.addi %add3A, %mul3A_12 : i32
      "tpu.region"() ({
        %run_scoped3A_14 = tpu.sem_alloc : memref<!tpu.dma_semaphore, #tpu.memory_space<semaphore_mem>>
        %dma_start3A = arith.constant 0 : i32
        %dma_start3A_15 = tpu.memref_slice %arg2[%add3A_13, %dma_start3A] : memref<2500x128xi32, #tpu.memory_space<hbm>> -> memref<1x128xi32, #tpu.memory_space<hbm>>
        %dma_start3A_16 = arith.constant 0 : i32
        %dma_start3A_17 = tpu.memref_slice %arg2[%add3A_13, %dma_start3A_16] : memref<2500x128xi32, #tpu.memory_space<hbm>> -> memref<1x128xi32, #tpu.memory_space<hbm>>
        tpu.enqueue_dma source(%dma_start3A_17 : memref<1x128xi32, #tpu.memory_space<hbm>>) target(%arg6 : memref<1x128xi32, #tpu.memory_space<vmem>>) target_semaphore(%run_scoped3A_14 : memref<!tpu.dma_semaphore, #tpu.memory_space<semaphore_mem>>)
        %dma_wait3A = arith.constant 0 : i32
        %dma_wait3A_18 = tpu.memref_slice %arg2[%add3A_13, %dma_wait3A] : memref<2500x128xi32, #tpu.memory_space<hbm>> -> memref<1x128xi32, #tpu.memory_space<hbm>>
        %dma_wait3A_19 = arith.constant 0 : i32
        %dma_wait3A_20 = tpu.memref_slice %arg2[%add3A_13, %dma_wait3A_19] : memref<2500x128xi32, #tpu.memory_space<hbm>> -> memref<1x128xi32, #tpu.memory_space<hbm>>
        tpu.wait_dma2 semaphore(%run_scoped3A_14 : memref<!tpu.dma_semaphore, #tpu.memory_space<semaphore_mem>>) src(%dma_wait3A_20 : memref<1x128xi32, #tpu.memory_space<hbm>>) dst(%arg6 : memref<1x128xi32, #tpu.memory_space<vmem>>)
        tpu.yield
      }) : () -> ()
      %run_scoped3A = arith.constant 0 : i32
      "tpu.region"() ({
        %run_scoped3A_14 = tpu.sem_alloc : memref<!tpu.dma_semaphore, #tpu.memory_space<semaphore_mem>>
        %dma_start3A = arith.constant 0 : i32
        %dma_start3A_15 = tpu.memref_slice %arg6[%run_scoped3A, %dma_start3A] : memref<1x128xi32, #tpu.memory_space<vmem>> -> memref<1x128xi32, #tpu.memory_space<vmem>>
        %dma_start3A_16 = tpu.memref_squeeze %dma_start3A_15 : memref<1x128xi32, #tpu.memory_space<vmem>> -> memref<128xi32, #tpu.memory_space<vmem>>
        %dma_start3A_17 = arith.constant 0 : i32
        %dma_start3A_18 = tpu.memref_slice %arg8[%dma_start3A_17] : memref<10240xf32, #tpu.memory_space<vmem_shared>> -> memref<10240xf32, #tpu.memory_space<vmem_shared>>
        tpu.enqueue_indirect_dma source(%arg7 : memref<128xf32, #tpu.memory_space<vmem>>) target(%dma_start3A_18 : memref<10240xf32, #tpu.memory_space<vmem_shared>>) offsets(%dma_start3A_16 : memref<128xi32, #tpu.memory_space<vmem>>) semaphore(%run_scoped3A_14 : memref<!tpu.dma_semaphore, #tpu.memory_space<semaphore_mem>>) {add = true}
        %dma_wait3A = arith.constant 0 : i32
        %dma_wait3A_19 = tpu.memref_slice %arg6[%run_scoped3A, %dma_wait3A] : memref<1x128xi32, #tpu.memory_space<vmem>> -> memref<1x128xi32, #tpu.memory_space<vmem>>
        %dma_wait3A_20 = tpu.memref_squeeze %dma_wait3A_19 : memref<1x128xi32, #tpu.memory_space<vmem>> -> memref<128xi32, #tpu.memory_space<vmem>>
        %dma_wait3A_21 = arith.constant 0 : i32
        %dma_wait3A_22 = tpu.memref_slice %arg8[%dma_wait3A_21] : memref<10240xf32, #tpu.memory_space<vmem_shared>> -> memref<10240xf32, #tpu.memory_space<vmem_shared>>
        tpu.wait_indirect_dma semaphore(%run_scoped3A_14 : memref<!tpu.dma_semaphore, #tpu.memory_space<semaphore_mem>>) src(%arg7 : memref<128xf32, #tpu.memory_space<vmem>>) dst(%dma_wait3A_22 : memref<10240xf32, #tpu.memory_space<vmem_shared>>)
        tpu.yield
      }) : () -> ()
    }
    %scan3A_6 = arith.constant 78 : i32
    %lt3A = arith.constant 4 : i32
    %lt3A_7 = arith.cmpi slt, %add3A, %lt3A : i32
    %convert_element_type3A = arith.extui %lt3A_7 : i1 to i32
    %cond3A = arith.constant 0 : i32
    %cond3A_8 = arith.cmpi ne, %convert_element_type3A, %cond3A : i32
    scf.if %cond3A_8 {
      %add3A_10 = arith.constant 2496 : i32
      %add3A_11 = arith.addi %add3A, %add3A_10 : i32
      "tpu.region"() ({
        %run_scoped3A_12 = tpu.sem_alloc : memref<!tpu.dma_semaphore, #tpu.memory_space<semaphore_mem>>
        %dma_start3A = arith.constant 0 : i32
        %dma_start3A_13 = tpu.memref_slice %arg2[%add3A_11, %dma_start3A] : memref<2500x128xi32, #tpu.memory_space<hbm>> -> memref<1x128xi32, #tpu.memory_space<hbm>>
        %dma_start3A_14 = arith.constant 0 : i32
        %dma_start3A_15 = tpu.memref_slice %arg2[%add3A_11, %dma_start3A_14] : memref<2500x128xi32, #tpu.memory_space<hbm>> -> memref<1x128xi32, #tpu.memory_space<hbm>>
        tpu.enqueue_dma source(%dma_start3A_15 : memref<1x128xi32, #tpu.memory_space<hbm>>) target(%arg6 : memref<1x128xi32, #tpu.memory_space<vmem>>) target_semaphore(%run_scoped3A_12 : memref<!tpu.dma_semaphore, #tpu.memory_space<semaphore_mem>>)
        %dma_wait3A = arith.constant 0 : i32
        %dma_wait3A_16 = tpu.memref_slice %arg2[%add3A_11, %dma_wait3A] : memref<2500x128xi32, #tpu.memory_space<hbm>> -> memref<1x128xi32, #tpu.memory_space<hbm>>
        %dma_wait3A_17 = arith.constant 0 : i32
        %dma_wait3A_18 = tpu.memref_slice %arg2[%add3A_11, %dma_wait3A_17] : memref<2500x128xi32, #tpu.memory_space<hbm>> -> memref<1x128xi32, #tpu.memory_space<hbm>>
        tpu.wait_dma2 semaphore(%run_scoped3A_12 : memref<!tpu.dma_semaphore, #tpu.memory_space<semaphore_mem>>) src(%dma_wait3A_18 : memref<1x128xi32, #tpu.memory_space<hbm>>) dst(%arg6 : memref<1x128xi32, #tpu.memory_space<vmem>>)
        tpu.yield
      }) : () -> ()
      %run_scoped3A = arith.constant 0 : i32
      "tpu.region"() ({
        %run_scoped3A_12 = tpu.sem_alloc : memref<!tpu.dma_semaphore, #tpu.memory_space<semaphore_mem>>
        %dma_start3A = arith.constant 0 : i32
        %dma_start3A_13 = tpu.memref_slice %arg6[%run_scoped3A, %dma_start3A] : memref<1x128xi32, #tpu.memory_space<vmem>> -> memref<1x128xi32, #tpu.memory_space<vmem>>
        %dma_start3A_14 = tpu.memref_squeeze %dma_start3A_13 : memref<1x128xi32, #tpu.memory_space<vmem>> -> memref<128xi32, #tpu.memory_space<vmem>>
        %dma_start3A_15 = arith.constant 0 : i32
        %dma_start3A_16 = tpu.memref_slice %arg8[%dma_start3A_15] : memref<10240xf32, #tpu.memory_space<vmem_shared>> -> memref<10240xf32, #tpu.memory_space<vmem_shared>>
        tpu.enqueue_indirect_dma source(%arg7 : memref<128xf32, #tpu.memory_space<vmem>>) target(%dma_start3A_16 : memref<10240xf32, #tpu.memory_space<vmem_shared>>) offsets(%dma_start3A_14 : memref<128xi32, #tpu.memory_space<vmem>>) semaphore(%run_scoped3A_12 : memref<!tpu.dma_semaphore, #tpu.memory_space<semaphore_mem>>) {add = true}
        %dma_wait3A = arith.constant 0 : i32
        %dma_wait3A_17 = tpu.memref_slice %arg6[%run_scoped3A, %dma_wait3A] : memref<1x128xi32, #tpu.memory_space<vmem>> -> memref<1x128xi32, #tpu.memory_space<vmem>>
        %dma_wait3A_18 = tpu.memref_squeeze %dma_wait3A_17 : memref<1x128xi32, #tpu.memory_space<vmem>> -> memref<128xi32, #tpu.memory_space<vmem>>
        %dma_wait3A_19 = arith.constant 0 : i32
        %dma_wait3A_20 = tpu.memref_slice %arg8[%dma_wait3A_19] : memref<10240xf32, #tpu.memory_space<vmem_shared>> -> memref<10240xf32, #tpu.memory_space<vmem_shared>>
        tpu.wait_indirect_dma semaphore(%run_scoped3A_12 : memref<!tpu.dma_semaphore, #tpu.memory_space<semaphore_mem>>) src(%arg7 : memref<128xf32, #tpu.memory_space<vmem>>) dst(%dma_wait3A_20 : memref<10240xf32, #tpu.memory_space<vmem_shared>>)
        tpu.yield
      }) : () -> ()
    } else {
    }
    %barrier3A_9 = arith.constant 0 : index
    tpu.barrier barrier_id(%barrier3A_9)
    "tpu.region"() ({
      %run_scoped3A = tpu.sem_alloc : memref<!tpu.dma_semaphore, #tpu.memory_space<semaphore_mem>>
      %dma_start3A = tpu.memref_slice %arg5[%arg0, %mul3A_2] : memref<2x10240xf32, #tpu.memory_space<hbm>> -> memref<1x640xf32, #tpu.memory_space<hbm>>
      %dma_start3A_10 = tpu.memref_squeeze %dma_start3A : memref<1x640xf32, #tpu.memory_space<hbm>> -> memref<640xf32, #tpu.memory_space<hbm>>
      %dma_start3A_11 = tpu.memref_slice %arg8[%mul3A_2] : memref<10240xf32, #tpu.memory_space<vmem_shared>> -> memref<640xf32, #tpu.memory_space<vmem_shared>>
      tpu.enqueue_dma source(%dma_start3A_11 : memref<640xf32, #tpu.memory_space<vmem_shared>>) target(%dma_start3A_10 : memref<640xf32, #tpu.memory_space<hbm>>) target_semaphore(%run_scoped3A : memref<!tpu.dma_semaphore, #tpu.memory_space<semaphore_mem>>)
      %dma_wait3A = tpu.memref_slice %arg5[%arg0, %mul3A_2] : memref<2x10240xf32, #tpu.memory_space<hbm>> -> memref<1x640xf32, #tpu.memory_space<hbm>>
      %dma_wait3A_12 = tpu.memref_squeeze %dma_wait3A : memref<1x640xf32, #tpu.memory_space<hbm>> -> memref<640xf32, #tpu.memory_space<hbm>>
      %dma_wait3A_13 = tpu.memref_slice %arg8[%mul3A_2] : memref<10240xf32, #tpu.memory_space<vmem_shared>> -> memref<640xf32, #tpu.memory_space<vmem_shared>>
      tpu.wait_dma2 semaphore(%run_scoped3A : memref<!tpu.dma_semaphore, #tpu.memory_space<semaphore_mem>>) src(%dma_wait3A_13 : memref<640xf32, #tpu.memory_space<vmem_shared>>) dst(%dma_wait3A_12 : memref<640xf32, #tpu.memory_space<hbm>>)
      tpu.yield
    }) : () -> ()
    return
  }
}

module attributes {stable_mosaic.version = 14 : i64} {
  func.func @_tc_dense_body(%arg0: i32, %arg1: memref<2000x128xf32, #tpu.memory_space<vmem>>, %arg2: memref<128x128xf32, #tpu.memory_space<vmem>>, %arg3: memref<1x128xf32, #tpu.memory_space<vmem>>, %arg4: memref<2000x128xf32, #tpu.memory_space<vmem>>) attributes {dimension_semantics = [#tpu.dimension_semantics<arbitrary>], iteration_bounds = array<i64: 5>, scalar_prefetch = 0 : i64, scratch_operands = 0 : i64, tpu.core_type = #tpu.core_type<tc>, window_params = [{transform_indices = @transform_0, window_bounds = array<i64: 2000, 128>}, {pipeline_mode = #tpu.pipeline_mode<synchronous>, transform_indices = @transform_1, window_bounds = array<i64: 128, 128>}, {pipeline_mode = #tpu.pipeline_mode<synchronous>, transform_indices = @transform_2, window_bounds = array<i64: 1, 128>}, {transform_indices = @transform_3, window_bounds = array<i64: 2000, 128>}]} {
    %get3A = arith.constant 0 : index
    %get3A_0 = arith.constant 0 : index
    %get3A_1 = vector.load %arg1[%get3A, %get3A_0] : memref<2000x128xf32, #tpu.memory_space<vmem>>, vector<2000x128xf32>
    %get3A_2 = arith.constant 0 : index
    %get3A_3 = arith.constant 0 : index
    %get3A_4 = vector.load %arg2[%get3A_2, %get3A_3] : memref<128x128xf32, #tpu.memory_space<vmem>>, vector<128x128xf32>
    %dot_general3A = arith.constant dense<0.000000e+00> : vector<2000x128xf32>
    %dot_general3A_5 = tpu.matmul %get3A_1, %get3A_4, %dot_general3A {dimension_numbers = #tpu.dot_dimension_numbers<[1], [1], [0], [0], [0, 0, 1, 0], [], []>, transpose_lhs_hint = false} : vector<2000x128xf32>, vector<128x128xf32>, vector<2000x128xf32> -> vector<2000x128xf32>
    %get3A_6 = arith.constant 0 : index
    %get3A_7 = arith.constant 0 : index
    %get3A_8 = vector.load %arg3[%get3A_6, %get3A_7] : memref<1x128xf32, #tpu.memory_space<vmem>>, vector<1x128xf32>
    %add3A = vector.broadcast %get3A_8 : vector<1x128xf32> to vector<2000x128xf32>
    %add3A_9 = arith.addf %dot_general3A_5, %add3A : vector<2000x128xf32>
    %swap3A = arith.constant 0 : index
    %swap3A_10 = arith.constant 0 : index
    %swap3A_11 = vector.load %arg4[%swap3A, %swap3A_10] : memref<2000x128xf32, #tpu.memory_space<vmem>>, vector<2000x128xf32>
    tpu.vector_store %arg4[%swap3A, %swap3A_10], %add3A_9 {strides = array<i32>} : memref<2000x128xf32, #tpu.memory_space<vmem>>, vector<2000x128xf32>,
    return
  }
  func.func @transform_0(%arg0: i32) -> (i32, i32) {
    %c0_i32 = arith.constant 0 : i32
    %c0_i32_0 = arith.constant 0 : i32
    return %arg0, %c0_i32 : i32, i32
  }
  func.func @transform_1(%arg0: i32) -> (i32, i32) {
    %c0_i32 = arith.constant 0 : i32
    %c0_i32_0 = arith.constant 0 : i32
    %c0_i32_1 = arith.constant 0 : i32
    return %c0_i32, %c0_i32_0 : i32, i32
  }
  func.func @transform_2(%arg0: i32) -> (i32, i32) {
    %c0_i32 = arith.constant 0 : i32
    %c0_i32_0 = arith.constant 0 : i32
    %c0_i32_1 = arith.constant 0 : i32
    return %c0_i32, %c0_i32_0 : i32, i32
  }
  func.func @transform_3(%arg0: i32) -> (i32, i32) {
    %c0_i32 = arith.constant 0 : i32
    %c0_i32_0 = arith.constant 0 : i32
    return %arg0, %c0_i32 : i32, i32
  }
}

module attributes {stable_mosaic.version = 14 : i64} {
  func.func @_tc_final_body(%arg0: i32, %arg1: memref<2000x128xf32, #tpu.memory_space<vmem>>, %arg2: memref<128x16xf32, #tpu.memory_space<vmem>>, %arg3: memref<2x2000x16xf32, #tpu.memory_space<vmem>>, %arg4: memref<2x2000x1xf32, #tpu.memory_space<vmem>>, %arg5: memref<2000x128xf32, #tpu.memory_space<vmem>>) attributes {dimension_semantics = [#tpu.dimension_semantics<arbitrary>], iteration_bounds = array<i64: 5>, scalar_prefetch = 0 : i64, scratch_operands = 0 : i64, tpu.core_type = #tpu.core_type<tc>, window_params = [{transform_indices = @transform_0, window_bounds = array<i64: 2000, 128>}, {pipeline_mode = #tpu.pipeline_mode<synchronous>, transform_indices = @transform_1, window_bounds = array<i64: 128, 16>}, {transform_indices = @transform_2, window_bounds = array<i64: 2, 2000, 16>}, {transform_indices = @transform_3, window_bounds = array<i64: 2, 2000, 1>}, {transform_indices = @transform_4, window_bounds = array<i64: 2000, 128>}]} {
    %get3A = arith.constant 0 : index
    %get3A_0 = arith.constant 0 : index
    %get3A_1 = arith.constant 0 : index
    %get3A_2 = vector.load %arg3[%get3A, %get3A_0, %get3A_1] : memref<2x2000x16xf32, #tpu.memory_space<vmem>>, vector<1x2000x16xf32>
    %get3A_3 = vector.shape_cast %get3A_2 : vector<1x2000x16xf32> to vector<2000x16xf32>
    %get3A_4 = arith.constant 1 : index
    %get3A_5 = arith.constant 0 : index
    %get3A_6 = arith.constant 0 : index
    %get3A_7 = vector.load %arg3[%get3A_4, %get3A_5, %get3A_6] : memref<2x2000x16xf32, #tpu.memory_space<vmem>>, vector<1x2000x16xf32>
    %get3A_8 = vector.shape_cast %get3A_7 : vector<1x2000x16xf32> to vector<2000x16xf32>
    %add3A = arith.addf %get3A_3, %get3A_8 : vector<2000x16xf32>
    %get3A_9 = arith.constant 0 : index
    %get3A_10 = arith.constant 0 : index
    %get3A_11 = arith.constant 0 : index
    %get3A_12 = vector.load %arg4[%get3A_9, %get3A_10, %get3A_11] : memref<2x2000x1xf32, #tpu.memory_space<vmem>>, vector<1x2000x1xf32>
    %get3A_13 = vector.shape_cast %get3A_12 : vector<1x2000x1xf32> to vector<2000x1xf32>
    %get3A_14 = arith.constant 1 : index
    %get3A_15 = arith.constant 0 : index
    %get3A_16 = arith.constant 0 : index
    %get3A_17 = vector.load %arg4[%get3A_14, %get3A_15, %get3A_16] : memref<2x2000x1xf32, #tpu.memory_space<vmem>>, vector<1x2000x1xf32>
    %get3A_18 = vector.shape_cast %get3A_17 : vector<1x2000x1xf32> to vector<2000x1xf32>
    %add3A_19 = arith.addf %get3A_13, %get3A_18 : vector<2000x1xf32>
    %max3A = arith.constant 1.000000e+00 : f32
    %max3A_20 = vector.broadcast %max3A : f32 to vector<2000x1xf32>
    %max3A_21 = arith.maximumf %add3A_19, %max3A_20 : vector<2000x1xf32>
    %div3A = vector.broadcast %max3A_21 : vector<2000x1xf32> to vector<2000x16xf32>
    %div3A_22 = arith.divf %add3A, %div3A : vector<2000x16xf32>
    %get3A_23 = arith.constant 0 : index
    %get3A_24 = arith.constant 0 : index
    %get3A_25 = vector.load %arg2[%get3A_23, %get3A_24] : memref<128x16xf32, #tpu.memory_space<vmem>>, vector<128x16xf32>
    %dot_general3A = arith.constant dense<0.000000e+00> : vector<2000x128xf32>
    %dot_general3A_26 = tpu.matmul %div3A_22, %get3A_25, %dot_general3A {dimension_numbers = #tpu.dot_dimension_numbers<[1], [1], [0], [0], [0, 0, 1, 0], [], []>, transpose_lhs_hint = false} : vector<2000x16xf32>, vector<128x16xf32>, vector<2000x128xf32> -> vector<2000x128xf32>
    %get3A_27 = arith.constant 0 : index
    %get3A_28 = arith.constant 0 : index
    %get3A_29 = vector.load %arg1[%get3A_27, %get3A_28] : memref<2000x128xf32, #tpu.memory_space<vmem>>, vector<2000x128xf32>
    %add3A_30 = arith.addf %get3A_29, %dot_general3A_26 : vector<2000x128xf32>
    %max3A_31 = arith.constant 0.000000e+00 : f32
    %max3A_32 = vector.broadcast %max3A_31 : f32 to vector<2000x128xf32>
    %max3A_33 = arith.maximumf %add3A_30, %max3A_32 : vector<2000x128xf32>
    %swap3A = arith.constant 0 : index
    %swap3A_34 = arith.constant 0 : index
    %swap3A_35 = vector.load %arg5[%swap3A, %swap3A_34] : memref<2000x128xf32, #tpu.memory_space<vmem>>, vector<2000x128xf32>
    tpu.vector_store %arg5[%swap3A, %swap3A_34], %max3A_33 {strides = array<i32>} : memref<2000x128xf32, #tpu.memory_space<vmem>>, vector<2000x128xf32>,
    return
  }
  func.func @transform_0(%arg0: i32) -> (i32, i32) {
    %c0_i32 = arith.constant 0 : i32
    %c0_i32_0 = arith.constant 0 : i32
    return %arg0, %c0_i32 : i32, i32
  }
  func.func @transform_1(%arg0: i32) -> (i32, i32) {
    %c0_i32 = arith.constant 0 : i32
    %c0_i32_0 = arith.constant 0 : i32
    %c0_i32_1 = arith.constant 0 : i32
    return %c0_i32, %c0_i32_0 : i32, i32
  }
  func.func @transform_2(%arg0: i32) -> (i32, i32, i32) {
    %c0_i32 = arith.constant 0 : i32
    %c0_i32_0 = arith.constant 0 : i32
    %c0_i32_1 = arith.constant 0 : i32
    return %c0_i32, %arg0, %c0_i32_0 : i32, i32, i32
  }
  func.func @transform_3(%arg0: i32) -> (i32, i32, i32) {
    %c0_i32 = arith.constant 0 : i32
    %c0_i32_0 = arith.constant 0 : i32
    %c0_i32_1 = arith.constant 0 : i32
    return %c0_i32, %arg0, %c0_i32_0 : i32, i32, i32
  }
  func.func @transform_4(%arg0: i32) -> (i32, i32) {
    %c0_i32 = arith.constant 0 : i32
    %c0_i32_0 = arith.constant 0 : i32
    return %arg0, %c0_i32 : i32, i32
  }
}

</mosaic_0001>

<sc_bundles>
// kernel: kernel.6.cloned.1.call-start
scs
__scs_entry_jumppad:
0x0: {  	(pc) =	sbr.rel $0x88, $3  }
0x1: {  	(tag) =	ssettag $0x0;
	lr =	simm.s32 $0x1  }
0x2: {  	[smem:$0x3F9C] =	sst lr;
	_ =	strace $0xD0000000  }
0x3: {  	_ = 	snop  }
0x4: {  	_ = 	snop  }
0x5: {  	_ = 	snop  }
0x6: {  	_ = 	snop  }
0x7: {  	_ = 	snop  }
__scs_overlays_trampoline_lowered:
0x8: {  	[smem:$0x3FAB] =	sst s0  }
0x9: {  	[smem:$0x3FAC] =	sst s1  }
0xa: {  	[smem:$0x3FAD] =	sst s2  }
0xb: {  	[smem:$0x3FAE] =	sst s3  }
0xc: {  	[smem:$0x3FAF] =	sst s4  }
0xd: {  	[smem:$0x3FB0] =	sst s5  }
0xe: {  	[smem:$0x3FB1] =	sst s6  }
0xf: {  	[smem:$0x3FB2] =	sst s7  }
0x10: {  	[smem:$0x3FB3] =	sst s8  }
0x11: {  	[smem:$0x3FB4] =	sst s9;
	s0 =	simm.s32 @!p0 $0x0  }
0x12: {  	s1 =	sld [smem:$0x3F9A];
	s0 =	simm.s32 @p0 $0x1  }
0x13: {  	[smem:$0x3FB5] =	sst s0;
	s0 =	simm.s32 @!p1 $0x0  }
0x14: {  	s2 =	sld [smem:$0x3F99];
	s0 =	simm.s32 @p1 $0x1  }
0x15: {  	[smem:$0x3FB6] =	sst s0;
	s0 =	simm.s32 @!p2 $0x0  }
0x16: {  	s3 =	sld [smem:$0x3FDB];
	s0 =	simm.s32 @p2 $0x1  }
0x17: {  	s4 =	simm.s32 $0x1BF5;
	[smem:$0x3FB8] =	sst s0  }
0x18: {  	s0 =	sld [smem:$0x3F9B];
	_ =	swait.ge [sflag:s4], $0x0  }
0x19: {  	s7 =	sld [smem:$0x3F9C]  }
0x1a: {  	s8 =	sadd.s32 $0xFFFFE003, lr  }
0x1b: {  	s9 =	sadd.s32 $0xFFFFFEF7, lr;
	s5 =	simm.s32 $0xFFFFFFFF;
	p2 =	slt.u32 s8, $0xFFFFF086  }
0x1c: {  	p1 =	slt.u32 s9, $0xF7A;
	s5 =	simm.s32 @!p2 $0x0  }
0x1d: {  	s5 =	simm.s32 @p1 $0x1;
	p0 =	seq.s32 s7, s2  }
0x1e: {  	s7 =	smul.u32 @!p0 $0xF7A, s2;
	p2 =	seq.s32 @!p0 s5, $0x0  }
0x1f: {  	s9 =	smul.u32 $0xF7A, s1;
	s8 =	simm.s32 @!p0 $0x1BF5;
	p2 =	por !p2, p0  }
0x20: {  	[sflag:s8] =	ssyncset.s32 @!p0 $0xFFFFF086;
	s6 =	sadd.s32 @!p0 s3, s7;
	s7 =	simm.s32 @!p0 $0x108  }
0x21: {  	s3 =	sadd.s32 s3, s9;
	s6 =	sadd.s32 @!p0 $0x88, s6;
	s7 =	simm.s32 @p2 $0x1082  }
0x22: {  	[simem:s7], [sflag:s8] =	dma.local @!p0 [hbm:s6], $0xF7A  }
0x23: {  	s9 =	sor.u32 $0xD0000000, s2;
	s6 =	simm.s32 $0x108;
	_ =	swait.ge @!p0 [sflag:s8], $0x0  }
0x24: {  	s3 =	sadd.s32 $0x88, s3;
	s6 =	simm.s32 @!p1 $0x1082;
	[sflag:s4] =	ssyncset.s32 $0xFFFFF086  }
0x25: {  	[simem:s6], [sflag:s4] =	dma.local [hbm:s3], $0xF7A  }
0x26: {  	[smem:$0x3F9C] =	sst s1;
	(tag) =	ssettag s2;
	_ =	strace s9  }
0x27: {  	s1 =	sld [smem:$0x3FAC]  }
0x28: {  	s2 =	sld [smem:$0x3FAD]  }
0x29: {  	s4 =	sld [smem:$0x3FAF]  }
0x2a: {  	p0 =	seq.s32 s5, $0x0;
	s5 =	sld [smem:$0x3FB0]  }
0x2b: {  	s6 =	sld [smem:$0x3FB1]  }
0x2c: {  	s7 =	sld [smem:$0x3FB2]  }
0x2d: {  	s3 =	simm.s32 $0x108;
	s8 =	sld [smem:$0x3FB3]  }
0x2e: {  	s3 =	simm.s32 @!p0 $0x1082;
	s9 =	sld [smem:$0x3FB4]  }
0x2f: {  	lr =	sadd.s32 s0, s3;
	s0 =	sld [smem:$0x3FAB]  }
0x30: {  	s3 =	sld [smem:$0x3FAE]  }
0x31: {  	[smem:$0x3FB7] =	sst s10  }
0x32: {  	s10 =	sld [smem:$0x3FB5];
	_ =	sdelay $0x3  }
0x33: {  	p0 =	seq.s32 s10, $0x1;
	s10 =	sld [smem:$0x3FB7];
	_ =	sdelay $0x3  }
0x34: {  	[smem:$0x3FB7] =	sst s10  }
0x35: {  	s10 =	sld [smem:$0x3FB6];
	_ =	sdelay $0x3  }
0x36: {  	p1 =	seq.s32 s10, $0x1;
	s10 =	sld [smem:$0x3FB7];
	_ =	sdelay $0x3  }
0x37: {  	[smem:$0x3FB7] =	sst s10  }
0x38: {  	s10 =	sld [smem:$0x3FB8]  }
0x39: {  	_ = 	snop;
	(pc) =	sbr.ind lr, $3  }
0x3a: {  	_ = 	snop  }
0x3b: {  	_ = 	snop  }
0x3c: {  	p2 =	seq.s32 s10, $0x1;
	s10 =	sld [smem:$0x3FB7]  }
0x3d: {  	_ =	shalt  }
0x3e: {  	_ =	shalt  }
0x3f: {  	_ =	shalt  }
0x40: {  	_ =	shalt  }
0x41: {  	_ =	shalt  }
0x42: {  	_ =	shalt  }
0x43: {  	_ =	shalt  }
0x44: {  	_ =	shalt  }
0x45: {  	_ =	shalt  }
0x46: {  	_ =	shalt  }
0x47: {  	_ =	shalt  }
0x48: {  	_ =	shalt  }
0x49: {  	_ =	shalt  }
0x4a: {  	_ =	shalt  }
0x4b: {  	_ =	shalt  }
0x4c: {  	_ =	shalt  }
0x4d: {  	_ =	shalt  }
0x4e: {  	_ =	shalt  }
0x4f: {  	_ =	shalt  }
0x50: {  	_ =	shalt  }
0x51: {  	_ =	shalt  }
0x52: {  	_ =	shalt  }
0x53: {  	_ =	shalt  }
0x54: {  	_ =	shalt  }
0x55: {  	_ =	shalt  }
0x56: {  	_ =	shalt  }
0x57: {  	_ =	shalt  }
0x58: {  	_ =	shalt  }
0x59: {  	_ =	shalt  }
0x5a: {  	_ =	shalt  }
0x5b: {  	_ =	shalt  }
0x5c: {  	_ =	shalt  }
0x5d: {  	_ =	shalt  }
0x5e: {  	_ =	shalt  }
0x5f: {  	_ =	shalt  }
0x60: {  	_ =	shalt  }
0x61: {  	_ =	shalt  }
0x62: {  	_ =	shalt  }
0x63: {  	_ =	shalt  }
0x64: {  	_ =	shalt  }
0x65: {  	_ =	shalt  }
0x66: {  	_ =	shalt  }
0x67: {  	_ =	shalt  }
0x68: {  	_ =	shalt  }
0x69: {  	_ =	shalt  }
0x6a: {  	_ =	shalt  }
0x6b: {  	_ =	shalt  }
0x6c: {  	_ =	shalt  }
0x6d: {  	_ =	shalt  }
0x6e: {  	_ =	shalt  }
0x6f: {  	_ =	shalt  }
0x70: {  	_ =	shalt  }
0x71: {  	_ =	shalt  }
0x72: {  	_ =	shalt  }
0x73: {  	_ =	shalt  }
0x74: {  	_ =	shalt  }
0x75: {  	_ =	shalt  }
0x76: {  	_ =	shalt  }
0x77: {  	_ =	shalt  }
0x78: {  	_ =	shalt  }
0x79: {  	_ =	shalt  }
0x7a: {  	_ =	shalt  }
0x7b: {  	_ =	shalt  }
0x7c: {  	_ =	shalt  }
0x7d: {  	_ =	shalt  }
0x7e: {  	_ =	shalt  }
0x7f: {  	_ =	shalt  }
0x80: {  	_ =	shalt  }
0x81: {  	_ =	shalt  }
0x82: {  	_ =	shalt  }
0x83: {  	_ =	shalt  }
0x84: {  	_ =	shalt  }
0x85: {  	_ =	shalt  }
0x86: {  	_ =	shalt  }
0x87: {  	_ =	shalt  }
.Lfunc_end0:
.L_simem_size_0:
called_computation_lowered:
.L_overlay_start_0:
0x88: {  	s2 =	sld [smem:$0x3FD9]  }
0x89: {  	s3 =	sld [smem:$0x3FFE];
	_ =	sdelay $0x1  }
0x8a: {  	s1 =	srdreg.scid  }
0x8b: {  	s0 =	sand.u32 $0x1, s1  }
0x8c: {  	s17 =	sshll.u32 s0, $0xA;
	s2 =	sadd.s32 s3, s2  }
0x8d: {  	s2 =	sadd.s32 s2, s17  }
0x8e: {  	[smem:$0x3FC3] =	sst s2  }
0x8f: {  	_ = 	snop  }
0x90: {  	(tm) =	ssettm $0x1  }
0x91: {  	s18 =	sld [smem:$0x3FFB];
	_ =	sdelay $0x3  }
0x92: {  	_ =	strace s18  }
0x93: {  	s2 =	sld [smem:$0x3FFC];
	_ =	sdelay $0x3  }
0x94: {  	_ =	strace s2  }
0x95: {  	s2 =	sld [smem:$0x3FFD];
	_ =	sdelay $0x3  }
0x96: {  	_ =	strace s2  }
0x97: {  	_ =	strace $0x8FFFFFFF  }
0x98: {  	s19 =	sld [smem:$0x3FDB];
	_ =	sdelay $0x1  }
0x99: {  	s20 =	simm.s32 $_scs_section_size  }
0x9a: {  	s4 =	simm.s32 $_size__tile_overlayer_lowered;
	s5 =	simm.s32 $_tile_overlayer_lowered  }
0x9b: {  	s6 =	simm.s32 $0x1BFF;
	s21 =	sshll.u32 s5, $0x1;
	s3 =	sadd.s32 s20, s19  }
0x9c: {  	s22 =	simm.s32 $0x0;
	s4 =	sshll.u32 s4, $0x1;
	s5 =	sadd.s32 s21, s3  }
0x9d: {  	[timem:s22], [sflag:s6] =	dma.local [hbm:s5], s4  }
0x9e: {  	_ =	swait.ge [sflag:s6], s4  }
0x9f: {  	s4 =	ssub.s32 $0x0, s4;
	[sflag:s6] =	ssyncset.done $0x0  }
0xa0: {  	[sflag:s6] =	ssyncadd.s32 s4;
	_ =	sdelay $0x1  }
0xa1: {  	s23 =	simm.s32 $0x1B8B  }
0xa2: {  	_ =	swait.ge [sflag:s23], $0x1  }
0xa3: {  	[sflag:s23] =	ssyncset.done $0x0  }
0xa4: {  	[sflag:s23] =	ssyncadd.s32 $0xFFFFFFFF  }
0xa5: {  	s4 =	sld [smem:$0x0]  }
0xa6: {  	s5 =	sand.u32 $0xFFFFFFFE, s1  }
0xa7: {  	p0 =	sne.s32 s1, s5  }
0xa8: {  	s5 =	sshll.u32 @p0 s5, $0xE  }
0xa9: {  	s5 =	sadd.s32 @p0 $0x11B8D, s5;
	s6 =	sshll.u32 @p0 s4, $0x11  }
0xaa: {  	s5 =	sor.u32 @p0 s6, s5  }
0xab: {  	[sflag:s5] =	ssyncadd.remote.s32 @p0 $0x1;
	_ =	sdelay $0x1  }
0xac: {  	s5 =	simm.s32 @p0 $0x1B8D  }
0xad: {  	_ =	swait.eq @p0 [sflag:s5], $0x1  }
0xae: {  	[sflag:s5] =	ssyncadd.s32 @p0 $0xFFFFFFFF  }
0xaf: {  	s6 =	sshll.u32 @!p0 s1, $0xE  }
0xb0: {  	s6 =	sor.u32 @!p0 $0x4000, s6;
	s5 =	simm.s32 @!p0 $0x1B8D  }
0xb1: {  	s4 =	sshll.u32 @!p0 s4, $0x11;
	s6 =	sadd.s32 @!p0 $0x11B8D, s6;
	_ =	swait.eq @!p0 [sflag:s5], $0x1  }
0xb2: {  	s4 =	sor.u32 @!p0 s4, s6;
	[sflag:s5] =	ssyncadd.s32 @!p0 $0xFFFFFFFF  }
0xb3: {  	s25 =	simm.s32 $0x1B8E;
	s24 =	sld [smem:$0x3FFE];
	[sflag:s4] =	ssyncadd.remote.s32 @!p0 $0x1  }
0xb4: {  	s26 =	simm.s32 $execute0_lowered;
	[smem:$0x3FD2] =	sst s25  }
0xb5: {  	s5 =	sshll.u32 s26, $0x1;
	_ =	strace $0x80000049;
	[dreg:$0x1] =	wrdreg $0xFFFFFFFF  }
0xb6: {  	s28 =	simm.s32 $_size_execute0_lowered;
	s3 =	sadd.s32 s3, s5;
	[dreg:$0x0] =	wrdreg $0x0  }
0xb7: {  	s5 =	sshll.u32 s28, $0x1;
	[dreg:$0x2] =	wrdreg s3  }
0xb8: {  	[dreg:$0x3] =	wrdreg s5  }
0xb9: {  	[dreg:$0x4] =	wrdreg $0xC0  }
0xba: {  	_ =	task [dreg:s22], $0x5FFFF  }
0xbb: {  	[dreg:$0x1] =	wrdreg $0xFFFFFFFF  }
0xbc: {  	[dreg:$0x0] =	wrdreg $0x60  }
0xbd: {  	[dreg:$0x2] =	wrdreg s24  }
0xbe: {  	[dreg:$0x3] =	wrdreg $0x1000  }
0xbf: {  	[dreg:$0x4] =	wrdreg $0x9  }
0xc0: {  	_ =	task.clear_ibuf [dreg:s22], $0x5FFFF;
	_ =	strace $0x90000049  }
0xc1: {  	s29 =	simm.s32 $0x9;
	_ =	strace $0x8000004B  }
0xc2: {  	_ =	swait.ge [sflag:s29], $0x1  }
0xc3: {  	[sflag:s29] =	ssyncadd.s32 $0xFFFFFFFF  }
0xc4: {  	_ =	strace $0x9000004B  }
0xc5: {  	_ =	sfence  }
0xc6: {  	s30 =	sld [smem:$0x0];
	_ =	sdelay $0x2  }
0xc7: {  	s31 =	sshll.u32 s1, $0xD;
	s1 =	sshrl.u32 s1, $0x2  }
0xc8: {  	s4 =	sand.u32 $0x4000, s31;
	s1 =	sadd.s32 s1, s30  }
0xc9: {  	s0 =	sor.u32 s4, s0;
	s1 =	sshll.u32 s1, $0x11  }
0xca: {  	s0 =	sor.u32 s1, s0  }
0xcb: {  	s0 =	sadd.s32 $0x8F2B, s0  }
0xcc: {  	[sflag:s0] =	ssyncadd.remote.s32 $0x1  }
0xcd: {  	_ =	sfence.sel $0xFFFF  }
0xce: {  	[dreg:$0x0] =	wrdreg $0xFFFFFFFF;
	(pc) =	sbr.abs _section_cstart, $3  }
0xcf: {  	[dreg:$0x1] =	wrdreg $0xFFFFFFFF  }
0xd0: {  	_ =	task.clear_ibuf [dreg:s22], $0x2FFFF;
	_ =	strace $0x9FFFFFFF  }
0xd1: {  	(tm) =	ssettm $0x7FFFFFFF  }
tec
execute0_lowered:
.L_overlay_start_1:
0x0: {  	(tag) =	ssettag $0x1  }
0x1: {  	s5 =	rddreg [dreg:$0x0]  }
0x2: {  	s2 =	rddreg [dreg:$0x1]  }
0x3: {  	s0 =	rddreg [dreg:$0x2]  }
0x4: {  	s1 =	stileid.u32;
	s4 =	srdreg.scid;
	s3 =	simm.s32 $0x0  }
0x5: {  	s6 =	smul.u32 $0x280, s1;
	s7 =	sand.u32 $0x1, s4;
	[smem:$0x7FF] =	sst s3  }
0x6: {  	s10 =	sadd.s32 $0x1600, s5;
	s13 =	sshll.u32 s1, $0x5;
	s30 =	sshll.u32 s1, $0x6  }
0x7: {  	p0 =	sgt.u32 s1, $0x1;
	s4 =	smul.u32 $0x2800, s7;
	_ =	strace $0x8000004A  }
0x8: {  	s11 =	ssub.s32 $0x2, s7;
	s14 =	sshll.u32 s7, $0x4;
	s8 =	sshrl.u32 s6, $0x3  }
0x9: {  	s12 =	sshrl.u32 s11, $0x1;
	s28 =	sor.u32 s14, s13;
	s29 =	sadd.s32 s6, s2  }
0xa: {  	s8 =	sadd.s32 s8, s5;
	s9 =	sadd.s32 s6, s4;
	s4 =	sadd.s32 $0x10A00, s5  }
0xb: {  	s11 =	ssub.s32 s11, s12;
	s31 =	sadd.s32 s28, s10;
	s6 =	sor.u32 $0x1C01, s30  }
0xc: {  	s10 =	sadd.s32 s13, s10;
	s12 =	simm.s32 $0x1;
	s13 =	simm.s32 $0x80  }
0xd: {  	s9 =	sshrl.u32 s9, $0x3;
	s7 =	sadd.s32 $0x9C00, s31;
	s10 =	sadd.s32 s14, s10  }
0xe: {  	s14 =	simm.s32 $0x0;
	s9 =	sadd.s32 s9, s5;
	s5 =	sadd.s32 $0x10400, s8  }
0xf: {  	s8 =	sadd.s32 $0x10C00, s9;
	s9 =	smax.u32 s11, $0x1;
	s11 =	sshrl.u32 s29, $0x3  }
.LBB2_1:
0x10: {  	[spmem:s11], [sflag:s6] =	dma.local [hbm:s5], $0x50  }
0x11: {  	_ =	swait.ge [sflag:s12], $0x50  }
0x12: {  	[sflag:s12] =	ssyncset.done $0x0  }
0x13: {  	[sflag:s12] =	ssyncadd.s32 $0xFFFFFFB0  }
0x14: {  	[tilespmem:s13], [sflag:$0x1] =	stream.linear.gather [hbm4b:s4+s3], $0x80, $0x38;
	[tilespmem:$0x380] =	vst v63  }
0x15: {  	_ =	swait.ge [sflag:s12], $0x80  }
0x16: {  	[sflag:s12] =	ssyncset.done $0x0  }
0x17: {  	[sflag:s12] =	ssyncadd.s32 $0xFFFFFF80  }
0x18: {  	s15 =	sadd.s32 $0x0, s10;
	[bflag:$0x0] =	sbarrier.arrive $0xFFFF  }
0x19: {  	[tilespmem:s3], [sflag:$0x1] =	stream.linear.gather [hbm4b:s15+s3], $0x80, $0x38;
	[tilespmem:$0x380] =	vst v63  }
0x1a: {  	_ =	swait.ge [sflag:s12], $0x80  }
0x1b: {  	[sflag:s12] =	ssyncset.done $0x0  }
0x1c: {  	[sflag:s12] =	ssyncadd.s32 $0xFFFFFF80  }
0x1d: {  	[spmem:s2] =	stream.indirect.scatter.add.f32 [tilespmem:s13], [sflag:$0x1], $0x1, s3, s13, $0xb8;
	[tilespmem:$0x380] =	vst v63  }
0x1e: {  	_ =	swait.ge [sflag:s12], $0x80  }
0x1f: {  	s16 =	simm.s32 $0x400;
	s15 =	simm.s32 $0x200;
	[sflag:s12] =	ssyncset.done $0x0  }
.LBB2_2:
0x20: {  	s17 =	sadd.s32 s15, s10  }
0x21: {  	[sflag:s12] =	ssyncadd.s32 $0xFFFFFF80;
	s15 =	smov.u32 s16;
	s18 =	sadd.s32 $0x200, s16  }
0x22: {  	[tilespmem:s3], [sflag:$0x1] =	stream.linear.gather [hbm4b:s17+s3], $0x80, $0x38;
	[tilespmem:$0x380] =	vst v63  }
0x23: {  	p1 =	sne.s32 s16, $0x9A00;
	_ =	swait.ge [sflag:s12], $0x80  }
.Ltmp0:
0x24: {  	[sflag:s12] =	ssyncset.done $0x0;
	(pc) =	sbr.rel @p1 .LBB2_2-.Ltmp0, $4  }
0x25: {  	[sflag:s12] =	ssyncadd.s32 $0xFFFFFF80  }
0x26: {  	[spmem:s2] =	stream.indirect.scatter.add.f32 [tilespmem:s13], [sflag:$0x1], $0x1, s3, s13, $0xb8;
	[tilespmem:$0x380] =	vst v63  }
0x27: {  	_ =	swait.ge [sflag:s12], $0x80  }
0x28: {  	s16 =	smov.u32 s18;
	[sflag:s12] =	ssyncset.done $0x0  }
0x29: {  	s15 =	sadd.s32 s15, s10;
	[sflag:s12] =	ssyncadd.s32 $0xFFFFFF80  }
0x2a: {  	[tilespmem:s3], [sflag:$0x1] =	stream.linear.gather [hbm4b:s15+s3], $0x80, $0x38;
	[tilespmem:$0x380] =	vst v63  }
0x2b: {  	_ =	swait.ge [sflag:s12], $0x80  }
0x2c: {  	[sflag:s12] =	ssyncset.done $0x0  }
0x2d: {  	[sflag:s12] =	ssyncadd.s32 $0xFFFFFF80  }
0x2e: {  	[spmem:s2] =	stream.indirect.scatter.add.f32 [tilespmem:s13], [sflag:$0x1], $0x1, s3, s13, $0xb8;
	[tilespmem:$0x380] =	vst v63  }
0x2f: {  	_ =	swait.ge [sflag:s12], $0x80  }
0x30: {  	[sflag:s12] =	ssyncset.done $0x0  }
0x31: {  	s16 =	simm.s32 @!p0 $0x1;
	s15 =	simm.s32 @!p0 $0x0;
	[sflag:s12] =	ssyncadd.s32 $0xFFFFFF80  }
0x32: {  	[tilespmem:s15], [sflag:$0x1] =	stream.linear.gather @!p0 [hbm4b:s7+s15], $0x80, $0x38;
	[tilespmem:$0x380] =	vst v63  }
0x33: {  	_ =	swait.ge @!p0 [sflag:s16], $0x80  }
0x34: {  	[sflag:s16] =	ssyncset.done @!p0 $0x0  }
0x35: {  	s17 =	simm.s32 @!p0 $0x80;
	[sflag:s16] =	ssyncadd.s32 @!p0 $0xFFFFFF80  }
0x36: {  	[spmem:s2] =	stream.indirect.scatter.add.f32 @!p0 [tilespmem:s17], [sflag:$0x1], $0x1, s15, s17, $0xb8;
	[tilespmem:$0x380] =	vst v63  }
0x37: {  	_ =	swait.ge @!p0 [sflag:s16], $0x80  }
0x38: {  	s14 =	sadd.s32 $0x1, s14;
	[sflag:s16] =	ssyncset.done @!p0 $0x0  }
0x39: {  	p1 =	sne.s32 s14, s9;
	[sflag:s16] =	ssyncadd.s32 @!p0 $0xFFFFFF80  }
.Ltmp1:
0x3a: {  	[bflag:$0x0] =	sbarrier.arrive $0xFFFF;
	(pc) =	sbr.rel @p1 .LBB2_1-.Ltmp1, $4  }
0x3b: {  	[hbm:s8], [sflag:s6] =	dma.local [spmem:s11], $0x50  }
0x3c: {  	_ =	swait.ge [sflag:s12], $0x50  }
0x3d: {  	[sflag:s12] =	ssyncset.done $0x0  }
0x3e: {  	[sflag:s12] =	ssyncadd.s32 $0xFFFFFFB0  }
0x3f: {  	_ =	sfence.sel $0x180000  }
0x40: {  	[bflag:$0x0] =	sbarrier.arrive $0xFFFF  }
0x41: {  	p0 =	sne.s32 s1, $0x0;
	_ =	strace $0x9000004A  }
0x42: {  	s0 =	sadd.s32 @!p0 $0x100000, s0;
	[bflag:$0x2] =	sbarrier.arrive $0xFFFF  }
0x43: {  	[sflag:s0] =	ssyncadd.tile.s32 @!p0 $0x1;
	_ =	shalt  }
.Lfunc_end2:
_tile_overlayer_lowered:
.L_overlay_start_2:
0x44: {  	(tag) =	ssettag $0x2  }
0x45: {  	s0 =	rddreg [dreg:$0x0];
	s2 =	stileid.u32  }
0x46: {  	s1 =	rddreg [dreg:$0x1];
	p0 =	sne.s32 s2, $0x0  }
0x47: {  	s3 =	rddreg [dreg:$0x2];
	[bflag:$0x3] =	sbarrier.arrive $0xFFFF;
	s2 =	simm.s32 @!p0 $0x1C01  }
0x48: {  	[timem:s3], [sflag:s2] =	dma.local @!p0 [hbm:s0], s1  }
0x49: {  	s0 =	simm.s32 @!p0 $0x1  }
0x4a: {  	_ =	swait.ge @!p0 [sflag:s0], s1  }
0x4b: {  	s1 =	ssub.s32 @!p0 $0x0, s1;
	[sflag:s0] =	ssyncset.done @!p0 $0x0  }
0x4c: {  	[sflag:s0] =	ssyncadd.s32 @!p0 s1  }
0x4d: {  	[bflag:$0x3] =	sbarrier.arrive $0xFFFF  }
0x4e: {  	_ =	shalt  }

// kernel: kernel.9.cloned.1.call-start
scs
__scs_entry_jumppad:
0x0: {  	(pc) =	sbr.rel $0x88, $3  }
0x1: {  	(tag) =	ssettag $0x0;
	lr =	simm.s32 $0x1  }
0x2: {  	[smem:$0x3F9C] =	sst lr;
	_ =	strace $0xD0000000  }
0x3: {  	_ = 	snop  }
0x4: {  	_ = 	snop  }
0x5: {  	_ = 	snop  }
0x6: {  	_ = 	snop  }
0x7: {  	_ = 	snop  }
__scs_overlays_trampoline_lowered:
0x8: {  	[smem:$0x3FAB] =	sst s0  }
0x9: {  	[smem:$0x3FAC] =	sst s1  }
0xa: {  	[smem:$0x3FAD] =	sst s2  }
0xb: {  	[smem:$0x3FAE] =	sst s3  }
0xc: {  	[smem:$0x3FAF] =	sst s4  }
0xd: {  	[smem:$0x3FB0] =	sst s5  }
0xe: {  	[smem:$0x3FB1] =	sst s6  }
0xf: {  	[smem:$0x3FB2] =	sst s7  }
0x10: {  	[smem:$0x3FB3] =	sst s8  }
0x11: {  	[smem:$0x3FB4] =	sst s9;
	s0 =	simm.s32 @!p0 $0x0  }
0x12: {  	s1 =	sld [smem:$0x3F9A];
	s0 =	simm.s32 @p0 $0x1  }
0x13: {  	[smem:$0x3FB5] =	sst s0;
	s0 =	simm.s32 @!p1 $0x0  }
0x14: {  	s2 =	sld [smem:$0x3F99];
	s0 =	simm.s32 @p1 $0x1  }
0x15: {  	[smem:$0x3FB6] =	sst s0;
	s0 =	simm.s32 @!p2 $0x0  }
0x16: {  	s3 =	sld [smem:$0x3FDB];
	s0 =	simm.s32 @p2 $0x1  }
0x17: {  	s4 =	simm.s32 $0x1BF5;
	[smem:$0x3FB8] =	sst s0  }
0x18: {  	s0 =	sld [smem:$0x3F9B];
	_ =	swait.ge [sflag:s4], $0x0  }
0x19: {  	s7 =	sld [smem:$0x3F9C]  }
0x1a: {  	s8 =	sadd.s32 $0xFFFFE003, lr  }
0x1b: {  	s9 =	sadd.s32 $0xFFFFFEF7, lr;
	s5 =	simm.s32 $0xFFFFFFFF;
	p2 =	slt.u32 s8, $0xFFFFF086  }
0x1c: {  	p1 =	slt.u32 s9, $0xF7A;
	s5 =	simm.s32 @!p2 $0x0  }
0x1d: {  	s5 =	simm.s32 @p1 $0x1;
	p0 =	seq.s32 s7, s2  }
0x1e: {  	s7 =	smul.u32 @!p0 $0xF7A, s2;
	p2 =	seq.s32 @!p0 s5, $0x0  }
0x1f: {  	s9 =	smul.u32 $0xF7A, s1;
	s8 =	simm.s32 @!p0 $0x1BF5;
	p2 =	por !p2, p0  }
0x20: {  	[sflag:s8] =	ssyncset.s32 @!p0 $0xFFFFF086;
	s6 =	sadd.s32 @!p0 s3, s7;
	s7 =	simm.s32 @!p0 $0x108  }
0x21: {  	s3 =	sadd.s32 s3, s9;
	s6 =	sadd.s32 @!p0 $0x88, s6;
	s7 =	simm.s32 @p2 $0x1082  }
0x22: {  	[simem:s7], [sflag:s8] =	dma.local @!p0 [hbm:s6], $0xF7A  }
0x23: {  	s9 =	sor.u32 $0xD0000000, s2;
	s6 =	simm.s32 $0x108;
	_ =	swait.ge @!p0 [sflag:s8], $0x0  }
0x24: {  	s3 =	sadd.s32 $0x88, s3;
	s6 =	simm.s32 @!p1 $0x1082;
	[sflag:s4] =	ssyncset.s32 $0xFFFFF086  }
0x25: {  	[simem:s6], [sflag:s4] =	dma.local [hbm:s3], $0xF7A  }
0x26: {  	[smem:$0x3F9C] =	sst s1;
	(tag) =	ssettag s2;
	_ =	strace s9  }
0x27: {  	s1 =	sld [smem:$0x3FAC]  }
0x28: {  	s2 =	sld [smem:$0x3FAD]  }
0x29: {  	s4 =	sld [smem:$0x3FAF]  }
0x2a: {  	p0 =	seq.s32 s5, $0x0;
	s5 =	sld [smem:$0x3FB0]  }
0x2b: {  	s6 =	sld [smem:$0x3FB1]  }
0x2c: {  	s7 =	sld [smem:$0x3FB2]  }
0x2d: {  	s3 =	simm.s32 $0x108;
	s8 =	sld [smem:$0x3FB3]  }
0x2e: {  	s3 =	simm.s32 @!p0 $0x1082;
	s9 =	sld [smem:$0x3FB4]  }
0x2f: {  	lr =	sadd.s32 s0, s3;
	s0 =	sld [smem:$0x3FAB]  }
0x30: {  	s3 =	sld [smem:$0x3FAE]  }
0x31: {  	[smem:$0x3FB7] =	sst s10  }
0x32: {  	s10 =	sld [smem:$0x3FB5];
	_ =	sdelay $0x3  }
0x33: {  	p0 =	seq.s32 s10, $0x1;
	s10 =	sld [smem:$0x3FB7];
	_ =	sdelay $0x3  }
0x34: {  	[smem:$0x3FB7] =	sst s10  }
0x35: {  	s10 =	sld [smem:$0x3FB6];
	_ =	sdelay $0x3  }
0x36: {  	p1 =	seq.s32 s10, $0x1;
	s10 =	sld [smem:$0x3FB7];
	_ =	sdelay $0x3  }
0x37: {  	[smem:$0x3FB7] =	sst s10  }
0x38: {  	s10 =	sld [smem:$0x3FB8]  }
0x39: {  	_ = 	snop;
	(pc) =	sbr.ind lr, $3  }
0x3a: {  	_ = 	snop  }
0x3b: {  	_ = 	snop  }
0x3c: {  	p2 =	seq.s32 s10, $0x1;
	s10 =	sld [smem:$0x3FB7]  }
0x3d: {  	_ =	shalt  }
0x3e: {  	_ =	shalt  }
0x3f: {  	_ =	shalt  }
0x40: {  	_ =	shalt  }
0x41: {  	_ =	shalt  }
0x42: {  	_ =	shalt  }
0x43: {  	_ =	shalt  }
0x44: {  	_ =	shalt  }
0x45: {  	_ =	shalt  }
0x46: {  	_ =	shalt  }
0x47: {  	_ =	shalt  }
0x48: {  	_ =	shalt  }
0x49: {  	_ =	shalt  }
0x4a: {  	_ =	shalt  }
0x4b: {  	_ =	shalt  }
0x4c: {  	_ =	shalt  }
0x4d: {  	_ =	shalt  }
0x4e: {  	_ =	shalt  }
0x4f: {  	_ =	shalt  }
0x50: {  	_ =	shalt  }
0x51: {  	_ =	shalt  }
0x52: {  	_ =	shalt  }
0x53: {  	_ =	shalt  }
0x54: {  	_ =	shalt  }
0x55: {  	_ =	shalt  }
0x56: {  	_ =	shalt  }
0x57: {  	_ =	shalt  }
0x58: {  	_ =	shalt  }
0x59: {  	_ =	shalt  }
0x5a: {  	_ =	shalt  }
0x5b: {  	_ =	shalt  }
0x5c: {  	_ =	shalt  }
0x5d: {  	_ =	shalt  }
0x5e: {  	_ =	shalt  }
0x5f: {  	_ =	shalt  }
0x60: {  	_ =	shalt  }
0x61: {  	_ =	shalt  }
0x62: {  	_ =	shalt  }
0x63: {  	_ =	shalt  }
0x64: {  	_ =	shalt  }
0x65: {  	_ =	shalt  }
0x66: {  	_ =	shalt  }
0x67: {  	_ =	shalt  }
0x68: {  	_ =	shalt  }
0x69: {  	_ =	shalt  }
0x6a: {  	_ =	shalt  }
0x6b: {  	_ =	shalt  }
0x6c: {  	_ =	shalt  }
0x6d: {  	_ =	shalt  }
0x6e: {  	_ =	shalt  }
0x6f: {  	_ =	shalt  }
0x70: {  	_ =	shalt  }
0x71: {  	_ =	shalt  }
0x72: {  	_ =	shalt  }
0x73: {  	_ =	shalt  }
0x74: {  	_ =	shalt  }
0x75: {  	_ =	shalt  }
0x76: {  	_ =	shalt  }
0x77: {  	_ =	shalt  }
0x78: {  	_ =	shalt  }
0x79: {  	_ =	shalt  }
0x7a: {  	_ =	shalt  }
0x7b: {  	_ =	shalt  }
0x7c: {  	_ =	shalt  }
0x7d: {  	_ =	shalt  }
0x7e: {  	_ =	shalt  }
0x7f: {  	_ =	shalt  }
0x80: {  	_ =	shalt  }
0x81: {  	_ =	shalt  }
0x82: {  	_ =	shalt  }
0x83: {  	_ =	shalt  }
0x84: {  	_ =	shalt  }
0x85: {  	_ =	shalt  }
0x86: {  	_ =	shalt  }
0x87: {  	_ =	shalt  }
.Lfunc_end0:
.L_simem_size_0:
called_computation.1_lowered:
.L_overlay_start_0:
0x88: {  	s2 =	sld [smem:$0x3FD9]  }
0x89: {  	s3 =	sld [smem:$0x3FFE];
	_ =	sdelay $0x1  }
0x8a: {  	s1 =	srdreg.scid  }
0x8b: {  	s0 =	sand.u32 $0x1, s1  }
0x8c: {  	s17 =	sshll.u32 s0, $0xA;
	s2 =	sadd.s32 s3, s2  }
0x8d: {  	s2 =	sadd.s32 s2, s17  }
0x8e: {  	[smem:$0x3FC3] =	sst s2  }
0x8f: {  	_ = 	snop  }
0x90: {  	s2 =	sld [smem:$0x3FD0];
	(tm) =	ssettm $0x1  }
0x91: {  	s18 =	sld [smem:$0x3FFB];
	_ =	sdelay $0x3  }
0x92: {  	_ =	strace s18  }
0x93: {  	s3 =	sld [smem:$0x3FFC];
	_ =	sdelay $0x3  }
0x94: {  	_ =	strace s3  }
0x95: {  	s3 =	sld [smem:$0x3FFD];
	_ =	sdelay $0x3  }
0x96: {  	_ =	strace s3  }
0x97: {  	_ =	strace $0x8FFFFFFF  }
0x98: {  	s19 =	sld [smem:$0x3FDB];
	_ =	sdelay $0x1  }
0x99: {  	s4 =	simm.s32 $_scs_section_size  }
0x9a: {  	s5 =	simm.s32 $_size__tile_overlayer_lowered;
	s6 =	simm.s32 $_tile_overlayer_lowered  }
0x9b: {  	s22 =	simm.s32 $0x1BFF;
	s21 =	sshll.u32 s6, $0x1;
	s3 =	sadd.s32 s4, s19  }
0x9c: {  	s7 =	simm.s32 $0x0;
	s20 =	sshll.u32 s5, $0x1;
	s5 =	sadd.s32 s21, s3  }
0x9d: {  	[timem:s7], [sflag:s22] =	dma.local [hbm:s5], s20  }
0x9e: {  	_ =	swait.ge [sflag:s22], s20  }
0x9f: {  	s4 =	ssub.s32 $0x0, s20;
	[sflag:s22] =	ssyncset.done $0x0  }
0xa0: {  	[sflag:s22] =	ssyncadd.s32 s4;
	_ =	sdelay $0x1  }
0xa1: {  	s23 =	simm.s32 $0x1B8B  }
0xa2: {  	_ =	swait.ge [sflag:s23], $0x1  }
0xa3: {  	[sflag:s23] =	ssyncset.done $0x0  }
0xa4: {  	s25 =	simm.s32 $0x1B8E;
	s24 =	sld [smem:$0x3FFE];
	[sflag:s23] =	ssyncadd.s32 $0xFFFFFFFF  }
0xa5: {  	s26 =	simm.s32 $execute0_lowered;
	[smem:$0x3FD2] =	sst s25  }
0xa6: {  	s5 =	sshll.u32 s26, $0x1;
	_ =	strace $0x80000046;
	[dreg:$0x1] =	wrdreg $0xFFFFFFFF  }
0xa7: {  	s28 =	simm.s32 $_size_execute0_lowered;
	s3 =	sadd.s32 s3, s5;
	[dreg:$0x0] =	wrdreg $0x0  }
0xa8: {  	s5 =	sshll.u32 s28, $0x1;
	[dreg:$0x2] =	wrdreg s3  }
0xa9: {  	[dreg:$0x3] =	wrdreg s5  }
0xaa: {  	[dreg:$0x4] =	wrdreg $0xC0  }
0xab: {  	_ =	task [dreg:s7], $0x5FFFF  }
0xac: {  	[dreg:$0x1] =	wrdreg $0xFFFFFFFF  }
0xad: {  	[dreg:$0x0] =	wrdreg $0x60  }
0xae: {  	[dreg:$0x2] =	wrdreg s24  }
0xaf: {  	[dreg:$0x3] =	wrdreg s2  }
0xb0: {  	[dreg:$0x4] =	wrdreg $0x8800  }
0xb1: {  	[dreg:$0x5] =	wrdreg $0xA  }
0xb2: {  	_ =	task.clear_ibuf [dreg:s7], $0x6FFFF;
	_ =	strace $0x90000046  }
0xb3: {  	s29 =	simm.s32 $0xA;
	_ =	strace $0x80000048  }
0xb4: {  	_ =	swait.ge [sflag:s29], $0x1  }
0xb5: {  	[sflag:s29] =	ssyncadd.s32 $0xFFFFFFFF  }
0xb6: {  	_ =	strace $0x90000048  }
0xb7: {  	_ =	sfence  }
0xb8: {  	s30 =	sld [smem:$0x0];
	_ =	sdelay $0x2  }
0xb9: {  	s31 =	sshll.u32 s1, $0xD;
	s1 =	sshrl.u32 s1, $0x2  }
0xba: {  	s3 =	sand.u32 $0x4000, s31;
	s1 =	sadd.s32 s1, s30  }
0xbb: {  	s0 =	sor.u32 s3, s0;
	s1 =	sshll.u32 s1, $0x11  }
0xbc: {  	s0 =	sor.u32 s1, s0  }
0xbd: {  	s0 =	sadd.s32 $0x8F2B, s0  }
0xbe: {  	[sflag:s0] =	ssyncadd.remote.s32 $0x1  }
0xbf: {  	_ =	sfence.sel $0xFFFF  }
0xc0: {  	[dreg:$0x0] =	wrdreg $0xFFFFFFFF;
	(pc) =	sbr.abs _section_cstart, $3  }
0xc1: {  	[dreg:$0x1] =	wrdreg $0xFFFFFFFF  }
0xc2: {  	_ =	task.clear_ibuf [dreg:s7], $0x2FFFF;
	_ =	strace $0x9FFFFFFF  }
0xc3: {  	(tm) =	ssettm $0x7FFFFFFF  }
tec
execute0_lowered:
.L_overlay_start_1:
0x0: {  	(tag) =	ssettag $0x1  }
0x1: {  	s4 =	rddreg [dreg:$0x0]  }
0x2: {  	s8 =	rddreg [dreg:$0x1]  }
0x3: {  	s2 =	rddreg [dreg:$0x2]  }
0x4: {  	s0 =	rddreg [dreg:$0x3]  }
0x5: {  	s3 =	simm.s32 $0x0;
	s1 =	stileid.u32;
	s5 =	srdreg.scid  }
0x6: {  	[smem:$0x7FF] =	sst s3;
	s6 =	smul.u32 $0x2800, s1;
	s11 =	sand.u32 $0x1, s5  }
0x7: {  	s10 =	sadd.s32 $0x1600, s4;
	s12 =	sadd.s32 $0x4ED400, s4;
	s25 =	sshll.u32 s1, $0x8  }
0x8: {  	s15 =	sshll.u32 s1, $0x6;
	s31 =	sshll.u32 s1, $0x9;
	p0 =	sgt.u32 s1, $0x1  }
0x9: {  	_ =	strace $0x80000047;
	s5 =	ssub.s32 $0x2, s11;
	s26 =	sshll.u32 s11, $0x7  }
0xa: {  	s14 =	smul.u32 $0x28000, s11;
	s11 =	sshll.u32 s11, $0x8;
	s7 =	sshrl.u32 s6, $0x3  }
0xb: {  	s9 =	sshrl.u32 s5, $0x1;
	s13 =	sadd.s32 s6, s2;
	s16 =	sor.u32 s26, s25  }
0xc: {  	s4 =	sadd.s32 s7, s4;
	s9 =	ssub.s32 s5, s9;
	s5 =	sor.u32 $0x1C01, s15  }
0xd: {  	s7 =	sor.u32 $0x4E000, s16;
	s6 =	sadd.s32 s6, s14;
	s30 =	sshrl.u32 s16, $0x3  }
0xe: {  	s14 =	simm.s32 $0x80;
	s15 =	simm.s32 $0x0;
	s4 =	sadd.s32 $0xB400, s4  }
0xf: {  	s28 =	sshrl.u32 s7, $0x3;
	s7 =	sshll.u32 s7, $0x1;
	s29 =	sshrl.u32 s6, $0x3  }
0x10: {  	s9 =	smax.u32 s9, $0x1;
	s6 =	sadd.s32 s10, s28;
	s7 =	sadd.s32 s12, s7  }
0x11: {  	s8 =	sadd.s32 s8, s29;
	s10 =	sadd.s32 s30, s10;
	s12 =	sadd.s32 s31, s12  }
0x12: {  	s11 =	sadd.s32 s11, s12;
	s12 =	sshrl.u32 s13, $0x3;
	s13 =	simm.s32 $0x1  }
.LBB2_1:
0x13: {  	[spmem:s12], [sflag:s5] =	dma.local [hbm:s4], $0x500  }
0x14: {  	_ =	swait.ge [sflag:s13], $0x500  }
0x15: {  	[sflag:s13] =	ssyncset.done $0x0  }
0x16: {  	[sflag:s13] =	ssyncadd.s32 $0xFFFFFB00  }
0x17: {  	s16 =	sadd.s32 $0x0, s10;
	[bflag:$0x0] =	sbarrier.arrive $0xFFFF  }
0x18: {  	[tilespmem:s3], [sflag:$0x1] =	stream.linear.gather [hbm4b:s16+s3], $0x80, $0x38;
	[tilespmem:$0x3080] =	vst v63  }
0x19: {  	_ =	swait.ge [sflag:s13], $0x80  }
0x1a: {  	[sflag:s13] =	ssyncset.done $0x0  }
0x1b: {  	[sflag:s13] =	ssyncadd.s32 $0xFFFFFF80  }
0x1c: {  	[tilespmem:s14], [sflag:$0x1] =	stream.linear.gather [hbm4b:s11+s3], $0x800, $0x38;
	[tilespmem:$0x3080] =	vst v63  }
0x1d: {  	_ =	swait.ge [sflag:s13], $0x800  }
0x1e: {  	[sflag:s13] =	ssyncset.done $0x0  }
0x1f: {  	[sflag:s13] =	ssyncadd.s32 $0xFFFFF800  }
0x20: {  	[spmem:s2] =	stream.indirect.scatter.add.f32 [tilespmem:s14], [sflag:$0x1], $0x10, s3, s14, $0xb8;
	[tilespmem:$0x3080] =	vst v63  }
0x21: {  	s17 =	simm.s32 $0x200;
	_ =	swait.ge [sflag:s13], $0x800  }
0x22: {  	s18 =	simm.s32 $0x400;
	s16 =	sadd.s32 $0x2000, s11;
	[sflag:s13] =	ssyncset.done $0x0  }
.LBB2_2:
0x23: {  	s19 =	sadd.s32 s17, s10  }
0x24: {  	[sflag:s13] =	ssyncadd.s32 $0xFFFFF800;
	s17 =	smov.u32 s18;
	s20 =	sadd.s32 $0x200, s18  }
0x25: {  	[tilespmem:s3], [sflag:$0x1] =	stream.linear.gather [hbm4b:s19+s3], $0x80, $0x38;
	[tilespmem:$0x3080] =	vst v63  }
0x26: {  	p1 =	sne.s32 s18, $0x9A00;
	_ =	swait.ge [sflag:s13], $0x80  }
0x27: {  	[sflag:s13] =	ssyncset.done $0x0  }
0x28: {  	[sflag:s13] =	ssyncadd.s32 $0xFFFFFF80  }
0x29: {  	[tilespmem:s14], [sflag:$0x1] =	stream.linear.gather [hbm4b:s16+s3], $0x800, $0x38;
	[tilespmem:$0x3080] =	vst v63  }
0x2a: {  	_ =	swait.ge [sflag:s13], $0x800  }
.Ltmp0:
0x2b: {  	[sflag:s13] =	ssyncset.done $0x0;
	(pc) =	sbr.rel @p1 .LBB2_2-.Ltmp0, $4  }
0x2c: {  	[sflag:s13] =	ssyncadd.s32 $0xFFFFF800  }
0x2d: {  	[spmem:s2] =	stream.indirect.scatter.add.f32 [tilespmem:s14], [sflag:$0x1], $0x10, s3, s14, $0xb8;
	[tilespmem:$0x3080] =	vst v63  }
0x2e: {  	_ =	swait.ge [sflag:s13], $0x800  }
0x2f: {  	s18 =	smov.u32 s20;
	s16 =	sadd.s32 $0x2000, s16;
	[sflag:s13] =	ssyncset.done $0x0  }
0x30: {  	s17 =	sadd.s32 s17, s10;
	[sflag:s13] =	ssyncadd.s32 $0xFFFFF800  }
0x31: {  	[tilespmem:s3], [sflag:$0x1] =	stream.linear.gather [hbm4b:s17+s3], $0x80, $0x38;
	[tilespmem:$0x3080] =	vst v63  }
0x32: {  	_ =	swait.ge [sflag:s13], $0x80  }
0x33: {  	[sflag:s13] =	ssyncset.done $0x0  }
0x34: {  	[sflag:s13] =	ssyncadd.s32 $0xFFFFFF80  }
0x35: {  	[tilespmem:s14], [sflag:$0x1] =	stream.linear.gather [hbm4b:s16+s3], $0x800, $0x38;
	[tilespmem:$0x3080] =	vst v63  }
0x36: {  	_ =	swait.ge [sflag:s13], $0x800  }
0x37: {  	[sflag:s13] =	ssyncset.done $0x0  }
0x38: {  	[sflag:s13] =	ssyncadd.s32 $0xFFFFF800  }
0x39: {  	[spmem:s2] =	stream.indirect.scatter.add.f32 [tilespmem:s14], [sflag:$0x1], $0x10, s3, s14, $0xb8;
	[tilespmem:$0x3080] =	vst v63  }
0x3a: {  	_ =	swait.ge [sflag:s13], $0x800  }
0x3b: {  	[sflag:s13] =	ssyncset.done $0x0  }
0x3c: {  	s17 =	simm.s32 @!p0 $0x1;
	s16 =	simm.s32 @!p0 $0x0;
	[sflag:s13] =	ssyncadd.s32 $0xFFFFF800  }
0x3d: {  	[tilespmem:s16], [sflag:$0x1] =	stream.linear.gather @!p0 [hbm4b:s6+s16], $0x80, $0x38;
	[tilespmem:$0x3080] =	vst v63  }
0x3e: {  	_ =	swait.ge @!p0 [sflag:s17], $0x80  }
0x3f: {  	[sflag:s17] =	ssyncset.done @!p0 $0x0  }
0x40: {  	s18 =	simm.s32 @!p0 $0x80;
	[sflag:s17] =	ssyncadd.s32 @!p0 $0xFFFFFF80  }
0x41: {  	[tilespmem:s18], [sflag:$0x1] =	stream.linear.gather @!p0 [hbm4b:s7+s16], $0x800, $0x38;
	[tilespmem:$0x3080] =	vst v63  }
0x42: {  	_ =	swait.ge @!p0 [sflag:s17], $0x800  }
0x43: {  	[sflag:s17] =	ssyncset.done @!p0 $0x0  }
0x44: {  	[sflag:s17] =	ssyncadd.s32 @!p0 $0xFFFFF800  }
0x45: {  	[spmem:s2] =	stream.indirect.scatter.add.f32 @!p0 [tilespmem:s18], [sflag:$0x1], $0x10, s16, s18, $0xb8;
	[tilespmem:$0x3080] =	vst v63  }
0x46: {  	_ =	swait.ge @!p0 [sflag:s17], $0x800  }
0x47: {  	s15 =	sadd.s32 $0x1, s15;
	[sflag:s17] =	ssyncset.done @!p0 $0x0  }
0x48: {  	p1 =	sne.s32 s15, s9;
	[sflag:s17] =	ssyncadd.s32 @!p0 $0xFFFFF800  }
.Ltmp1:
0x49: {  	[bflag:$0x0] =	sbarrier.arrive $0xFFFF;
	(pc) =	sbr.rel @p1 .LBB2_1-.Ltmp1, $4  }
0x4a: {  	[hbm:s8], [sflag:s5] =	dma.local [spmem:s12], $0x500  }
0x4b: {  	_ =	swait.ge [sflag:s13], $0x500  }
0x4c: {  	[sflag:s13] =	ssyncset.done $0x0  }
0x4d: {  	[sflag:s13] =	ssyncadd.s32 $0xFFFFFB00  }
0x4e: {  	_ =	sfence.sel $0x180000  }
0x4f: {  	[bflag:$0x0] =	sbarrier.arrive $0xFFFF  }
0x50: {  	p0 =	sne.s32 s1, $0x0;
	_ =	strace $0x90000047  }
0x51: {  	s0 =	sadd.s32 @!p0 $0x100000, s0;
	[bflag:$0x2] =	sbarrier.arrive $0xFFFF  }
0x52: {  	[sflag:s0] =	ssyncadd.tile.s32 @!p0 $0x1;
	_ =	shalt  }
.Lfunc_end2:
_tile_overlayer_lowered:
.L_overlay_start_2:
0x53: {  	(tag) =	ssettag $0x2  }
0x54: {  	s0 =	rddreg [dreg:$0x0];
	s2 =	stileid.u32  }
0x55: {  	s1 =	rddreg [dreg:$0x1];
	p0 =	sne.s32 s2, $0x0  }
0x56: {  	s3 =	rddreg [dreg:$0x2];
	[bflag:$0x3] =	sbarrier.arrive $0xFFFF;
	s2 =	simm.s32 @!p0 $0x1C01  }
0x57: {  	[timem:s3], [sflag:s2] =	dma.local @!p0 [hbm:s0], s1  }
0x58: {  	s0 =	simm.s32 @!p0 $0x1  }
0x59: {  	_ =	swait.ge @!p0 [sflag:s0], s1  }
0x5a: {  	s1 =	ssub.s32 @!p0 $0x0, s1;
	[sflag:s0] =	ssyncset.done @!p0 $0x0  }
0x5b: {  	[sflag:s0] =	ssyncadd.s32 @!p0 s1  }
0x5c: {  	[bflag:$0x3] =	sbarrier.arrive $0xFFFF  }
0x5d: {  	_ =	shalt  }

</sc_bundles>
